<compile_context>
chip_gen: v7x
topology: tpu7x:2x2x1
jax: 0.10.2.dev20260603
libtpu: 0.0.44.dev20260713+nightly
codegen_flags: <defaults>
</compile_context>

<pallas_src>
import functools

import jax
import jax.numpy as jnp
from jax import lax
from jax.experimental import pallas as pl
from jax.experimental.pallas import tpu as pltpu
from jax.experimental.pallas import tpu_sc as plsc

B, S, D, H, DH, DFF = 2, 4096, 1024, 16, 64, 4096
K = 512
MB = 1024
NMB = S // MB
NC, NS = 2, 16
NW = NC * NS
RPW = (B * K) // NW

_f32 = jnp.float32
_i32 = jnp.int32


SCH = S // 8


def _route_select_body(x_ref, rwt_ref, rb_ref, tp_ref, fx_ref, w_ref):
    m = pl.program_id(0)
    for b in range(B):
        wc = lax.dot_general(rwt_ref[...], x_ref[b],
                             (((1,), (1,)), ((), ())),
                             preferred_element_type=_f32)
        w_ref[b, m, :] = wc[0] + rb_ref[0]

    @pl.when(m == S // SCH - 1)
    def _selection():
        NR = S // SCH
        rN = lax.broadcasted_iota(_i32, (SCH, SCH), 0)
        cN = lax.broadcasted_iota(_i32, (SCH, SCH), 1)
        U = (rN <= cN).astype(_f32)
        r8 = lax.broadcasted_iota(_i32, (NR, NR), 0)
        c8 = lax.broadcasted_iota(_i32, (NR, NR), 1)
        Lx = (r8 > c8).astype(_f32)

        def cumsum2d(e):
            cs = jnp.dot(e, U, preferred_element_type=_f32)
            rowsum = jnp.sum(e, axis=1, keepdims=True)
            off = jnp.dot(Lx, rowsum, preferred_element_type=_f32)
            return cs + off

        for b in range(B):
            wb = w_ref[b]
            bits = lax.bitcast_convert_type(wb, _i32)
            keys = jnp.where(bits >= 0, bits, bits ^ jnp.int32(0x7FFFFFFF))

            def step(_, c):
                lo, hi = c
                mid = (lo >> 1) + (hi >> 1) + (lo & hi & 1)
                cnt = jnp.sum((keys > mid).astype(_i32))
                pred = cnt < K
                return (jnp.where(pred, lo, mid), jnp.where(pred, mid, hi))

            lo0 = jnp.int32(-2147483647) - 1
            hi0 = jnp.int32(2147483647)
            _, T = lax.fori_loop(0, 32, step, (lo0, hi0))

            gt = keys > T
            eq = keys == T
            g = jnp.sum(gt.astype(_i32))
            r = (K - g).astype(_f32)
            ecs = cumsum2d(eq.astype(_f32))
            sel = gt | (eq & (ecs <= r))
            rk = cumsum2d(sel.astype(_f32))

            rki = rk.astype(_i32)
            jcol = lax.broadcasted_iota(_i32, (K, SCH), 0)
            tpc = jnp.zeros((K, 1), _f32)
            for u in range(NR):
                cmp = (rki[u:u + 1, :] <= jcol).astype(_f32)
                tpc = tpc + jnp.sum(cmp, axis=1, keepdims=True)
            tpci = tpc.astype(_i32)
            tp_ref[b] = tpci
            fx_ref[b] = tpci + b * S


def _route_select(x, router_w, router_b):
    tp, fx = pl.pallas_call(
        _route_select_body,
        grid=(S // SCH,),
        in_specs=[
            pl.BlockSpec((B, SCH, D), lambda m: (0, m, 0)),
            pl.BlockSpec((1, D), lambda m: (0, 0)),
            pl.BlockSpec(memory_space=pltpu.SMEM),
        ],
        out_specs=[
            pl.BlockSpec((B, K, 1), lambda m: (0, 0, 0)),
            pl.BlockSpec((B, K, 1), lambda m: (0, 0, 0)),
        ],
        out_shape=[
            jax.ShapeDtypeStruct((B, K, 1), _i32),
            jax.ShapeDtypeStruct((B, K, 1), _i32),
        ],
        scratch_shapes=[pltpu.VMEM((B, S // SCH, SCH), _f32)],
        compiler_params=pltpu.CompilerParams(
            vmem_limit_bytes=100 * 1024 * 1024),
    )(x, router_w.reshape(1, D), router_b)
    return tp.reshape(B, K), fx.reshape(B * K)


def _sc_gather(x2d, flat_idx):
    mesh = plsc.VectorSubcoreMesh(core_axis_name="c", subcore_axis_name="s")

    @functools.partial(
        pl.kernel,
        mesh=mesh,
        out_type=jax.ShapeDtypeStruct((B * K, D), _f32),
        scratch_types=[
            pltpu.VMEM((RPW,), _i32),
            pltpu.VMEM((RPW, D), _f32),
            pltpu.SemaphoreType.DMA,
        ],
    )
    def gather_k(x_hbm, idx_hbm, out_hbm, idx_v, rows_v, sem):
        wid = lax.axis_index("s") * NC + lax.axis_index("c")
        base = wid * RPW
        pltpu.sync_copy(idx_hbm.at[pl.ds(base, RPW)], idx_v)
        pltpu.async_copy(x_hbm.at[idx_v], rows_v, sem).wait()
        pltpu.sync_copy(rows_v, out_hbm.at[pl.ds(base, RPW)])

    return gather_k(x2d, flat_idx)


def _attn_body(t_ref, wq_ref, bq_ref, wk_ref, bk_ref, wv_ref, bv_ref,
               wo_ref, bo_ref, g_ref, be_ref, o_ref):
    t = t_ref[0]
    scale = _f32(1.0 / float(DH) ** 0.5)
    q = (jnp.dot(t, wq_ref[...], preferred_element_type=_f32)
         + bq_ref[...]) * scale
    kk = jnp.dot(t, wk_ref[...], preferred_element_type=_f32) + bk_ref[...]
    v = jnp.dot(t, wv_ref[...], preferred_element_type=_f32) + bv_ref[...]

    ri = lax.broadcasted_iota(_i32, (K, K), 0)
    ci = lax.broadcasted_iota(_i32, (K, K), 1)
    causal = ri >= ci

    outs = []
    for h in range(H):
        sl = slice(h * DH, (h + 1) * DH)
        sc = lax.dot_general(q[:, sl], kk[:, sl], (((1,), (1,)), ((), ())),
                             preferred_element_type=_f32)
        p = jnp.where(causal, jnp.exp(sc), _f32(0.0))
        den = jnp.sum(p, axis=1, keepdims=True)
        outs.append(jnp.dot(p, v[:, sl], preferred_element_type=_f32) / den)
    a = jnp.concatenate(outs, axis=1)
    o = jnp.dot(a, wo_ref[...], preferred_element_type=_f32) + bo_ref[...]
    mu = jnp.mean(o, axis=1, keepdims=True)
    dlt = o - mu
    var = jnp.mean(dlt * dlt, axis=1, keepdims=True)
    o_ref[0] = dlt * lax.rsqrt(var + 1e-5) * g_ref[...] + be_ref[...]


def _attention(tokens3, wq, bq, wk, bk, wv, bv, wo, bo, ln_g, ln_b):
    wfull = lambda b: (0, 0)
    vfull = lambda b: (0,)
    return pl.pallas_call(
        _attn_body,
        grid=(B,),
        in_specs=[
            pl.BlockSpec((1, K, D), lambda b: (b, 0, 0)),
            pl.BlockSpec((D, D), wfull), pl.BlockSpec((D,), vfull),
            pl.BlockSpec((D, D), wfull), pl.BlockSpec((D,), vfull),
            pl.BlockSpec((D, D), wfull), pl.BlockSpec((D,), vfull),
            pl.BlockSpec((D, D), wfull), pl.BlockSpec((D,), vfull),
            pl.BlockSpec((D,), vfull), pl.BlockSpec((D,), vfull),
        ],
        out_specs=pl.BlockSpec((1, K, D), lambda b: (b, 0, 0)),
        out_shape=jax.ShapeDtypeStruct((B, K, D), _f32),
        compiler_params=pltpu.CompilerParams(
            vmem_limit_bytes=100 * 1024 * 1024),
    )(tokens3, wq, bq, wk, bk, wv, bv, wo, bo, ln_g, ln_b)


FC = 1024


def _mlp_body(xi_ref, w1_ref, b1_ref, w2_ref, b2_ref, o_ref):
    c = pl.program_id(0)
    h = jnp.dot(xi_ref[...], w1_ref[...], preferred_element_type=_f32) \
        + b1_ref[...]
    gel = jax.nn.gelu(h)
    contrib = jnp.dot(gel, w2_ref[...], preferred_element_type=_f32)

    @pl.when(c == 0)
    def _():
        o_ref[...] = contrib + b2_ref[...]

    @pl.when(c != 0)
    def _():
        o_ref[...] += contrib


def _mlp(x_inner2, w1, b1, w2, b2):
    return pl.pallas_call(
        _mlp_body,
        grid=(DFF // FC,),
        in_specs=[
            pl.BlockSpec((B * K, D), lambda c: (0, 0)),
            pl.BlockSpec((D, FC), lambda c: (0, c)),
            pl.BlockSpec((FC,), lambda c: (c,)),
            pl.BlockSpec((FC, D), lambda c: (c, 0)),
            pl.BlockSpec((D,), lambda c: (0,)),
        ],
        out_specs=pl.BlockSpec((B * K, D), lambda c: (0, 0)),
        out_shape=jax.ShapeDtypeStruct((B * K, D), _f32),
        compiler_params=pltpu.CompilerParams(
            vmem_limit_bytes=100 * 1024 * 1024),
    )(x_inner2, w1, b1, w2, b2)


def _merge_body(x_ref, nr_ref, tp_ref, o_ref):
    m = pl.program_id(1)
    tpv = tp_ref[0, 0, :]
    ri = lax.broadcasted_iota(_i32, (MB, K), 0) + m * MB
    P = (tpv[None, :] == ri).astype(_f32)
    o_ref[0] = x_ref[0] + jnp.dot(P, nr_ref[0], preferred_element_type=_f32)


def _merge(x, processed3, token_pos3):
    return pl.pallas_call(
        _merge_body,
        grid=(B, NMB),
        in_specs=[
            pl.BlockSpec((1, MB, D), lambda b, m: (b, m, 0)),
            pl.BlockSpec((1, K, D), lambda b, m: (b, 0, 0)),
            pl.BlockSpec((1, 1, K), lambda b, m: (b, 0, 0)),
        ],
        out_specs=pl.BlockSpec((1, MB, D), lambda b, m: (b, m, 0)),
        out_shape=jax.ShapeDtypeStruct((B, S, D), _f32),
        compiler_params=pltpu.CompilerParams(
            vmem_limit_bytes=100 * 1024 * 1024),
    )(x, processed3, token_pos3)


def kernel(x, router_w, router_b, pred_w, pred_b, wq, bq, wk, bk, wv, bv,
           wo, bo, ln_g, ln_b, w1, b1, w2, b2):
    token_pos, flat_idx = _route_select(x, router_w, router_b)
    tokens2 = _sc_gather(x.reshape(B * S, D), flat_idx)

    x_inner = _attention(tokens2.reshape(B, K, D), wq, bq, wk, bk, wv, bv,
                         wo, bo, ln_g, ln_b)
    processed = _mlp(x_inner.reshape(B * K, D), w1, b1, w2, b2)
    return _merge(x, processed.reshape(B, K, D), token_pos.reshape(B, 1, K))

# --- scband reference (transcript-rebuilt; emitter-appended) ---
"""Pipeline reference for scband-mo-dblock-43748536877278 (READ-ONLY COPY).

The authoritative reference and input builder live on the scoring server;
editing this copy changes nothing except your own understanding.
"""

import jax, jax.numpy as jnp
import numpy as np

B, S, D_MODEL, N_HEADS, D_FF = 2, 4096, 1024, 16, 4096
CAPACITY = 0.125


def setup_inputs(seed: int = 0) -> dict:
    key = jax.random.key(seed)
    ks = jax.random.split(key, 16)
    def nrm(k, shape, scale=0.02):
        return jax.random.normal(k, shape, dtype=jnp.float32) * scale
    return {
        "x": jax.random.normal(ks[0], (B, S, D_MODEL), dtype=jnp.float32),
        "router_w": nrm(ks[1], (D_MODEL, 1)),
        "router_b": jnp.zeros((1,), jnp.float32),
        "pred_w": nrm(ks[2], (D_MODEL, 1)),
        "pred_b": jnp.zeros((1,), jnp.float32),
        "wq": nrm(ks[3], (D_MODEL, D_MODEL)),
        "bq": jnp.zeros((D_MODEL,), jnp.float32),
        "wk": nrm(ks[4], (D_MODEL, D_MODEL)),
        "bk": jnp.zeros((D_MODEL,), jnp.float32),
        "wv": nrm(ks[5], (D_MODEL, D_MODEL)),
        "bv": jnp.zeros((D_MODEL,), jnp.float32),
        "wo": nrm(ks[6], (D_MODEL, D_MODEL)),
        "bo": jnp.zeros((D_MODEL,), jnp.float32),
        "ln_g": jnp.ones((D_MODEL,), jnp.float32),
        "ln_b": jnp.zeros((D_MODEL,), jnp.float32),
        "w1": nrm(ks[7], (D_MODEL, D_FF)),
        "b1": jnp.zeros((D_FF,), jnp.float32),
        "w2": nrm(ks[8], (D_FF, D_MODEL)),
        "b2": jnp.zeros((D_MODEL,), jnp.float32),
    }


def _layernorm(h, g, b, eps=1e-5):
    mu = jnp.mean(h, axis=-1, keepdims=True)
    var = jnp.var(h, axis=-1, keepdims=True)
    return (h - mu) / jnp.sqrt(var + eps) * g + b


def _mha(tokens, wq, bq, wk, bk, wv, bv, wo, bo):
    b, k, d = tokens.shape
    h = N_HEADS
    dh = d // h
    q = (tokens @ wq + bq).reshape(b, k, h, dh).transpose(0, 2, 1, 3)
    kk = (tokens @ wk + bk).reshape(b, k, h, dh).transpose(0, 2, 1, 3)
    v = (tokens @ wv + bv).reshape(b, k, h, dh).transpose(0, 2, 1, 3)
    scores = jnp.einsum("bhqd,bhkd->bhqk", q, kk) / np.sqrt(dh)
    causal = jnp.tril(jnp.ones((k, k), dtype=bool))
    scores = jnp.where(causal[None, None, :, :], scores, jnp.float32(-1e9))
    attn = jax.nn.softmax(scores, axis=-1)
    out = jnp.einsum("bhqk,bhkd->bhqd", attn, v).transpose(0, 2, 1, 3).reshape(b, k, d)
    return out @ wo + bo


def reference(x, router_w, router_b, pred_w, pred_b, wq, bq, wk, bk, wv, bv, wo, bo, ln_g, ln_b, w1, b1, w2, b2):
    b, s, d = x.shape
    k = max(1, int(CAPACITY * s))
    token_weights = (x @ router_w + router_b)[..., 0]  # [B, S]
    _, top_idx = jax.lax.top_k(token_weights, k)
    # torch version recovers selected positions in ascending order via nonzero
    token_pos = jnp.sort(top_idx, axis=1)  # [B, k]
    binds = jnp.arange(b)[:, None]
    tokens = x[binds, token_pos]  # [B, k, D]
    # predictor path (unused at eval, but computed in torch forward)
    _ = (x @ pred_w + pred_b)[..., 0]
    attn_output = _mha(tokens, wq, bq, wk, bk, wv, bv, wo, bo)
    x_inner = _layernorm(attn_output, ln_g, ln_b)
    processed = jax.nn.gelu(x_inner @ w1 + b1) @ w2 + b2
    out = x.at[binds, token_pos].add(processed)
    return out

if __name__ == "__main__":
    import jax
    _d = setup_inputs()
    print(jax.jit(kernel)(*tuple(_d.values())))

</pallas_src>

<mosaic_0001>
#map = affine_map<(d0, d1) -> (0, 0)>
#map1 = affine_map<(d0, d1) -> (0)>
module attributes {stable_mosaic.version = 14 : i64} {
  func.func @gather_k(%arg0: i32, %arg1: i32, %arg2: memref<8192x1024xf32, #tpu.memory_space<hbm>>, %arg3: memref<1024xi32, #tpu.memory_space<hbm>>, %arg4: memref<1024x1024xf32, #tpu.memory_space<hbm>>, %arg5: memref<32xi32, #tpu.memory_space<vmem>>, %arg6: memref<32x1024xf32, #tpu.memory_space<vmem>>, %arg7: memref<!tpu.dma_semaphore, #tpu.memory_space<semaphore_mem>>) attributes {dimension_semantics = [#tpu.dimension_semantics<core_parallel>, #tpu.dimension_semantics<subcore_parallel>], iteration_bounds = array<i64: 2, 16>, scalar_prefetch = 0 : i64, scratch_operands = 3 : i64, tpu.core_type = #tpu.core_type<sc_vector_subcore>, window_params = [{transform_indices = #map}, {transform_indices = #map1}, {transform_indices = #map}]} {
    %mul3A = arith.constant 2 : i32
    %mul3A_0 = arith.muli %arg1, %mul3A : i32
    %add3A = arith.addi %mul3A_0, %arg0 : i32
    %mul3A_1 = arith.constant 32 : i32
    %mul3A_2 = arith.muli %add3A, %mul3A_1 : i32
    "tpu.region"() ({
      %run_scoped3A = tpu.sem_alloc : memref<!tpu.dma_semaphore, #tpu.memory_space<semaphore_mem>>
      %dma_start3A_7 = tpu.memref_slice %arg3[%mul3A_2] : memref<1024xi32, #tpu.memory_space<hbm>> -> memref<32xi32, #tpu.memory_space<hbm>>
      %dma_start3A_8 = tpu.memref_slice %arg3[%mul3A_2] : memref<1024xi32, #tpu.memory_space<hbm>> -> memref<32xi32, #tpu.memory_space<hbm>>
      tpu.enqueue_dma source(%dma_start3A_8 : memref<32xi32, #tpu.memory_space<hbm>>) target(%arg5 : memref<32xi32, #tpu.memory_space<vmem>>) target_semaphore(%run_scoped3A : memref<!tpu.dma_semaphore, #tpu.memory_space<semaphore_mem>>)
      %dma_wait3A_9 = tpu.memref_slice %arg3[%mul3A_2] : memref<1024xi32, #tpu.memory_space<hbm>> -> memref<32xi32, #tpu.memory_space<hbm>>
      %dma_wait3A_10 = tpu.memref_slice %arg3[%mul3A_2] : memref<1024xi32, #tpu.memory_space<hbm>> -> memref<32xi32, #tpu.memory_space<hbm>>
      tpu.wait_dma2 semaphore(%run_scoped3A : memref<!tpu.dma_semaphore, #tpu.memory_space<semaphore_mem>>) src(%dma_wait3A_10 : memref<32xi32, #tpu.memory_space<hbm>>) dst(%arg5 : memref<32xi32, #tpu.memory_space<vmem>>)
      tpu.yield
    }) : () -> ()
    %dma_start3A = arith.constant 0 : i32
    %dma_start3A_3 = arith.constant 0 : i32
    %dma_start3A_4 = tpu.memref_slice %arg2[%dma_start3A, %dma_start3A_3] : memref<8192x1024xf32, #tpu.memory_space<hbm>> -> memref<8192x1024xf32, #tpu.memory_space<hbm>>
    tpu.enqueue_indirect_dma source(%dma_start3A_4 : memref<8192x1024xf32, #tpu.memory_space<hbm>>) target(%arg6 : memref<32x1024xf32, #tpu.memory_space<vmem>>) offsets(%arg5 : memref<32xi32, #tpu.memory_space<vmem>>) semaphore(%arg7 : memref<!tpu.dma_semaphore, #tpu.memory_space<semaphore_mem>>)
    %dma_wait3A = arith.constant 0 : i32
    %dma_wait3A_5 = arith.constant 0 : i32
    %dma_wait3A_6 = tpu.memref_slice %arg2[%dma_wait3A, %dma_wait3A_5] : memref<8192x1024xf32, #tpu.memory_space<hbm>> -> memref<8192x1024xf32, #tpu.memory_space<hbm>>
    tpu.wait_indirect_dma semaphore(%arg7 : memref<!tpu.dma_semaphore, #tpu.memory_space<semaphore_mem>>) src(%dma_wait3A_6 : memref<8192x1024xf32, #tpu.memory_space<hbm>>) dst(%arg6 : memref<32x1024xf32, #tpu.memory_space<vmem>>)
    "tpu.region"() ({
      %run_scoped3A = tpu.sem_alloc : memref<!tpu.dma_semaphore, #tpu.memory_space<semaphore_mem>>
      %dma_start3A_7 = arith.constant 0 : i32
      %dma_start3A_8 = tpu.memref_slice %arg4[%mul3A_2, %dma_start3A_7] : memref<1024x1024xf32, #tpu.memory_space<hbm>> -> memref<32x1024xf32, #tpu.memory_space<hbm>>
      %dma_start3A_9 = arith.constant 0 : i32
      %dma_start3A_10 = tpu.memref_slice %arg4[%mul3A_2, %dma_start3A_9] : memref<1024x1024xf32, #tpu.memory_space<hbm>> -> memref<32x1024xf32, #tpu.memory_space<hbm>>
      tpu.enqueue_dma source(%arg6 : memref<32x1024xf32, #tpu.memory_space<vmem>>) target(%dma_start3A_10 : memref<32x1024xf32, #tpu.memory_space<hbm>>) target_semaphore(%run_scoped3A : memref<!tpu.dma_semaphore, #tpu.memory_space<semaphore_mem>>)
      %dma_wait3A_11 = arith.constant 0 : i32
      %dma_wait3A_12 = tpu.memref_slice %arg4[%mul3A_2, %dma_wait3A_11] : memref<1024x1024xf32, #tpu.memory_space<hbm>> -> memref<32x1024xf32, #tpu.memory_space<hbm>>
      %dma_wait3A_13 = arith.constant 0 : i32
      %dma_wait3A_14 = tpu.memref_slice %arg4[%mul3A_2, %dma_wait3A_13] : memref<1024x1024xf32, #tpu.memory_space<hbm>> -> memref<32x1024xf32, #tpu.memory_space<hbm>>
      tpu.wait_dma2 semaphore(%run_scoped3A : memref<!tpu.dma_semaphore, #tpu.memory_space<semaphore_mem>>) src(%arg6 : memref<32x1024xf32, #tpu.memory_space<vmem>>) dst(%dma_wait3A_14 : memref<32x1024xf32, #tpu.memory_space<hbm>>)
      tpu.yield
    }) : () -> ()
    return
  }
}

module attributes {stable_mosaic.version = 14 : i64} {
  func.func @_mlp_body(%arg0: i32, %arg1: memref<1024x1024xf32, #tpu.memory_space<vmem>>, %arg2: memref<1024x1024xf32, #tpu.memory_space<vmem>>, %arg3: memref<1024xf32, #tpu.memory_space<vmem>>, %arg4: memref<1024x1024xf32, #tpu.memory_space<vmem>>, %arg5: memref<1024xf32, #tpu.memory_space<vmem>>, %arg6: memref<1024x1024xf32, #tpu.memory_space<vmem>>) attributes {dimension_semantics = [#tpu.dimension_semantics<arbitrary>], iteration_bounds = array<i64: 4>, scalar_prefetch = 0 : i64, scratch_operands = 0 : i64, tpu.core_type = #tpu.core_type<tc>, window_params = [{pipeline_mode = #tpu.pipeline_mode<synchronous>, transform_indices = @transform_0, window_bounds = array<i64: 1024, 1024>}, {transform_indices = @transform_1, window_bounds = array<i64: 1024, 1024>}, {transform_indices = @transform_2, window_bounds = array<i64: 1024>}, {transform_indices = @transform_3, window_bounds = array<i64: 1024, 1024>}, {pipeline_mode = #tpu.pipeline_mode<synchronous>, transform_indices = @transform_4, window_bounds = array<i64: 1024>}, {pipeline_mode = #tpu.pipeline_mode<synchronous>, transform_indices = @transform_5, window_bounds = array<i64: 1024, 1024>}]} {
    %get3A = arith.constant 0 : index
    %get3A_0 = arith.constant 0 : index
    %get3A_1 = vector.load %arg1[%get3A, %get3A_0] : memref<1024x1024xf32, #tpu.memory_space<vmem>>, vector<1024x1024xf32>
    %get3A_2 = arith.constant 0 : index
    %get3A_3 = arith.constant 0 : index
    %get3A_4 = vector.load %arg2[%get3A_2, %get3A_3] : memref<1024x1024xf32, #tpu.memory_space<vmem>>, vector<1024x1024xf32>
    %dot_general3A = arith.constant dense<0.000000e+00> : vector<1024x1024xf32>
    %dot_general3A_5 = tpu.matmul %get3A_1, %get3A_4, %dot_general3A {dimension_numbers = #tpu.dot_dimension_numbers<[1], [0], [0], [1], [0, 0, 1, 1], [], []>, transpose_lhs_hint = false} : vector<1024x1024xf32>, vector<1024x1024xf32>, vector<1024x1024xf32> -> vector<1024x1024xf32>
    %get3A_6 = arith.constant 0 : index
    %get3A_7 = vector.load %arg3[%get3A_6] : memref<1024xf32, #tpu.memory_space<vmem>>, vector<1024xf32>
    %broadcast_in_dim3A = vector.shape_cast %get3A_7 : vector<1024xf32> to vector<1x1024xf32>
    %add3A = vector.broadcast %broadcast_in_dim3A : vector<1x1024xf32> to vector<1024x1024xf32>
    %add3A_8 = arith.addf %dot_general3A_5, %add3A : vector<1024x1024xf32>
    %integer_pow3A = arith.mulf %add3A_8, %add3A_8 : vector<1024x1024xf32>
    %integer_pow3A_9 = arith.mulf %add3A_8, %integer_pow3A : vector<1024x1024xf32>
    %mul3A = arith.constant 4.471500e-02 : f32
    %mul3A_10 = vector.broadcast %mul3A : f32 to vector<1024x1024xf32>
    %mul3A_11 = arith.mulf %mul3A_10, %integer_pow3A_9 : vector<1024x1024xf32>
    %add3A_12 = arith.addf %add3A_8, %mul3A_11 : vector<1024x1024xf32>
    %mul3A_13 = arith.constant 0.797884583 : f32
    %mul3A_14 = vector.broadcast %mul3A_13 : f32 to vector<1024x1024xf32>
    %mul3A_15 = arith.mulf %mul3A_14, %add3A_12 : vector<1024x1024xf32>
    %tanh3A = math.tanh %mul3A_15 : vector<1024x1024xf32>
    %add3A_16 = arith.constant 1.000000e+00 : f32
    %add3A_17 = vector.broadcast %add3A_16 : f32 to vector<1024x1024xf32>
    %add3A_18 = arith.addf %add3A_17, %tanh3A : vector<1024x1024xf32>
    %mul3A_19 = arith.constant 5.000000e-01 : f32
    %mul3A_20 = vector.broadcast %mul3A_19 : f32 to vector<1024x1024xf32>
    %mul3A_21 = arith.mulf %mul3A_20, %add3A_18 : vector<1024x1024xf32>
    %mul3A_22 = arith.mulf %add3A_8, %mul3A_21 : vector<1024x1024xf32>
    %get3A_23 = arith.constant 0 : index
    %get3A_24 = arith.constant 0 : index
    %get3A_25 = vector.load %arg4[%get3A_23, %get3A_24] : memref<1024x1024xf32, #tpu.memory_space<vmem>>, vector<1024x1024xf32>
    %dot_general3A_26 = arith.constant dense<0.000000e+00> : vector<1024x1024xf32>
    %dot_general3A_27 = tpu.matmul %mul3A_22, %get3A_25, %dot_general3A_26 {dimension_numbers = #tpu.dot_dimension_numbers<[1], [0], [0], [1], [0, 0, 1, 1], [], []>, transpose_lhs_hint = false} : vector<1024x1024xf32>, vector<1024x1024xf32>, vector<1024x1024xf32> -> vector<1024x1024xf32>
    %eq3A = arith.constant 0 : i32
    %eq3A_28 = arith.cmpi eq, %arg0, %eq3A : i32
    %convert_element_type3A = arith.extui %eq3A_28 : i1 to i32
    %cond3A = arith.constant 0 : i32
    %cond3A_29 = arith.cmpi ne, %convert_element_type3A, %cond3A : i32
    scf.if %cond3A_29 {
      %get3A_34 = arith.constant 0 : index
      %get3A_35 = vector.load %arg5[%get3A_34] : memref<1024xf32, #tpu.memory_space<vmem>>, vector<1024xf32>
      %broadcast_in_dim3A_36 = vector.shape_cast %get3A_35 : vector<1024xf32> to vector<1x1024xf32>
      %add3A_37 = vector.broadcast %broadcast_in_dim3A_36 : vector<1x1024xf32> to vector<1024x1024xf32>
      %add3A_38 = arith.addf %dot_general3A_27, %add3A_37 : vector<1024x1024xf32>
      %swap3A = arith.constant 0 : index
      %swap3A_39 = arith.constant 0 : index
      %swap3A_40 = vector.load %arg6[%swap3A, %swap3A_39] : memref<1024x1024xf32, #tpu.memory_space<vmem>>, vector<1024x1024xf32>
      tpu.vector_store %arg6[%swap3A, %swap3A_39], %add3A_38 {strides = array<i32>} : memref<1024x1024xf32, #tpu.memory_space<vmem>>, vector<1024x1024xf32>,
    } else {
    }
    %ne3A = arith.constant 0 : i32
    %ne3A_30 = arith.cmpi ne, %arg0, %ne3A : i32
    %convert_element_type3A_31 = arith.extui %ne3A_30 : i1 to i32
    %cond3A_32 = arith.constant 0 : i32
    %cond3A_33 = arith.cmpi ne, %convert_element_type3A_31, %cond3A_32 : i32
    scf.if %cond3A_33 {
      %get3A_34 = arith.constant 0 : index
      %get3A_35 = arith.constant 0 : index
      %get3A_36 = vector.load %arg6[%get3A_34, %get3A_35] : memref<1024x1024xf32, #tpu.memory_space<vmem>>, vector<1024x1024xf32>
      %add3A_37 = arith.addf %get3A_36, %dot_general3A_27 : vector<1024x1024xf32>
      %swap3A = arith.constant 0 : index
      %swap3A_38 = arith.constant 0 : index
      %swap3A_39 = vector.load %arg6[%swap3A, %swap3A_38] : memref<1024x1024xf32, #tpu.memory_space<vmem>>, vector<1024x1024xf32>
      tpu.vector_store %arg6[%swap3A, %swap3A_38], %add3A_37 {strides = array<i32>} : memref<1024x1024xf32, #tpu.memory_space<vmem>>, vector<1024x1024xf32>,
    } else {
    }
    return
  }
  func.func @transform_0(%arg0: i32) -> (i32, i32) {
    %c0_i32 = arith.constant 0 : i32
    %c0_i32_0 = arith.constant 0 : i32
    %c0_i32_1 = arith.constant 0 : i32
    return %c0_i32, %c0_i32_0 : i32, i32
  }
  func.func @transform_1(%arg0: i32) -> (i32, i32) {
    %c0_i32 = arith.constant 0 : i32
    %c0_i32_0 = arith.constant 0 : i32
    return %c0_i32, %arg0 : i32, i32
  }
  func.func @transform_2(%arg0: i32) -> i32 {
    %c0_i32 = arith.constant 0 : i32
    return %arg0 : i32
  }
  func.func @transform_3(%arg0: i32) -> (i32, i32) {
    %c0_i32 = arith.constant 0 : i32
    %c0_i32_0 = arith.constant 0 : i32
    return %arg0, %c0_i32 : i32, i32
  }
  func.func @transform_4(%arg0: i32) -> i32 {
    %c0_i32 = arith.constant 0 : i32
    %c0_i32_0 = arith.constant 0 : i32
    return %c0_i32 : i32
  }
  func.func @transform_5(%arg0: i32) -> (i32, i32) {
    %c0_i32 = arith.constant 0 : i32
    %c0_i32_0 = arith.constant 0 : i32
    %c0_i32_1 = arith.constant 0 : i32
    return %c0_i32, %c0_i32_0 : i32, i32
  }
}

module attributes {stable_mosaic.version = 14 : i64} {
  func.func @_attn_body(%arg0: i32, %arg1: memref<1x512x1024xf32, #tpu.memory_space<vmem>>, %arg2: memref<1024x1024xf32, #tpu.memory_space<vmem>>, %arg3: memref<1024xf32, #tpu.memory_space<vmem>>, %arg4: memref<1024x1024xf32, #tpu.memory_space<vmem>>, %arg5: memref<1024xf32, #tpu.memory_space<vmem>>, %arg6: memref<1024x1024xf32, #tpu.memory_space<vmem>>, %arg7: memref<1024xf32, #tpu.memory_space<vmem>>, %arg8: memref<1024x1024xf32, #tpu.memory_space<vmem>>, %arg9: memref<1024xf32, #tpu.memory_space<vmem>>, %arg10: memref<1024xf32, #tpu.memory_space<vmem>>, %arg11: memref<1024xf32, #tpu.memory_space<vmem>>, %arg12: memref<1x512x1024xf32, #tpu.memory_space<vmem>>) attributes {dimension_semantics = [#tpu.dimension_semantics<arbitrary>], iteration_bounds = array<i64: 2>, scalar_prefetch = 0 : i64, scratch_operands = 0 : i64, tpu.core_type = #tpu.core_type<tc>, window_params = [{transform_indices = @transform_0, window_bounds = array<i64: 1, 512, 1024>}, {pipeline_mode = #tpu.pipeline_mode<synchronous>, transform_indices = @transform_1, window_bounds = array<i64: 1024, 1024>}, {pipeline_mode = #tpu.pipeline_mode<synchronous>, transform_indices = @transform_2, window_bounds = array<i64: 1024>}, {pipeline_mode = #tpu.pipeline_mode<synchronous>, transform_indices = @transform_3, window_bounds = array<i64: 1024, 1024>}, {pipeline_mode = #tpu.pipeline_mode<synchronous>, transform_indices = @transform_4, window_bounds = array<i64: 1024>}, {pipeline_mode = #tpu.pipeline_mode<synchronous>, transform_indices = @transform_5, window_bounds = array<i64: 1024, 1024>}, {pipeline_mode = #tpu.pipeline_mode<synchronous>, transform_indices = @transform_6, window_bounds = array<i64: 1024>}, {pipeline_mode = #tpu.pipeline_mode<synchronous>, transform_indices = @transform_7, window_bounds = array<i64: 1024, 1024>}, {pipeline_mode = #tpu.pipeline_mode<synchronous>, transform_indices = @transform_8, window_bounds = array<i64: 1024>}, {pipeline_mode = #tpu.pipeline_mode<synchronous>, transform_indices = @transform_9, window_bounds = array<i64: 1024>}, {pipeline_mode = #tpu.pipeline_mode<synchronous>, transform_indices = @transform_10, window_bounds = array<i64: 1024>}, {transform_indices = @transform_11, window_bounds = array<i64: 1, 512, 1024>}]} {
    %get3A = arith.constant 0 : index
    %get3A_0 = arith.constant 0 : index
    %get3A_1 = arith.constant 0 : index
    %get3A_2 = vector.load %arg1[%get3A, %get3A_0, %get3A_1] : memref<1x512x1024xf32, #tpu.memory_space<vmem>>, vector<1x512x1024xf32>
    %get3A_3 = vector.shape_cast %get3A_2 : vector<1x512x1024xf32> to vector<512x1024xf32>
    %get3A_4 = arith.constant 0 : index
    %get3A_5 = arith.constant 0 : index
    %get3A_6 = vector.load %arg2[%get3A_4, %get3A_5] : memref<1024x1024xf32, #tpu.memory_space<vmem>>, vector<1024x1024xf32>
    %dot_general3A = arith.constant dense<0.000000e+00> : vector<512x1024xf32>
    %dot_general3A_7 = tpu.matmul %get3A_3, %get3A_6, %dot_general3A {dimension_numbers = #tpu.dot_dimension_numbers<[1], [0], [0], [1], [0, 0, 1, 1], [], []>, transpose_lhs_hint = false} : vector<512x1024xf32>, vector<1024x1024xf32>, vector<512x1024xf32> -> vector<512x1024xf32>
    %get3A_8 = arith.constant 0 : index
    %get3A_9 = vector.load %arg3[%get3A_8] : memref<1024xf32, #tpu.memory_space<vmem>>, vector<1024xf32>
    %broadcast_in_dim3A = vector.shape_cast %get3A_9 : vector<1024xf32> to vector<1x1024xf32>
    %add3A = vector.broadcast %broadcast_in_dim3A : vector<1x1024xf32> to vector<512x1024xf32>
    %add3A_10 = arith.addf %dot_general3A_7, %add3A : vector<512x1024xf32>
    %mul3A = arith.constant 1.250000e-01 : f32
    %mul3A_11 = vector.broadcast %mul3A : f32 to vector<512x1024xf32>
    %mul3A_12 = arith.mulf %add3A_10, %mul3A_11 : vector<512x1024xf32>
    %get3A_13 = arith.constant 0 : index
    %get3A_14 = arith.constant 0 : index
    %get3A_15 = vector.load %arg4[%get3A_13, %get3A_14] : memref<1024x1024xf32, #tpu.memory_space<vmem>>, vector<1024x1024xf32>
    %dot_general3A_16 = arith.constant dense<0.000000e+00> : vector<512x1024xf32>
    %dot_general3A_17 = tpu.matmul %get3A_3, %get3A_15, %dot_general3A_16 {dimension_numbers = #tpu.dot_dimension_numbers<[1], [0], [0], [1], [0, 0, 1, 1], [], []>, transpose_lhs_hint = false} : vector<512x1024xf32>, vector<1024x1024xf32>, vector<512x1024xf32> -> vector<512x1024xf32>
    %get3A_18 = arith.constant 0 : index
    %get3A_19 = vector.load %arg5[%get3A_18] : memref<1024xf32, #tpu.memory_space<vmem>>, vector<1024xf32>
    %broadcast_in_dim3A_20 = vector.shape_cast %get3A_19 : vector<1024xf32> to vector<1x1024xf32>
    %add3A_21 = vector.broadcast %broadcast_in_dim3A_20 : vector<1x1024xf32> to vector<512x1024xf32>
    %add3A_22 = arith.addf %dot_general3A_17, %add3A_21 : vector<512x1024xf32>
    %get3A_23 = arith.constant 0 : index
    %get3A_24 = arith.constant 0 : index
    %get3A_25 = vector.load %arg6[%get3A_23, %get3A_24] : memref<1024x1024xf32, #tpu.memory_space<vmem>>, vector<1024x1024xf32>
    %dot_general3A_26 = arith.constant dense<0.000000e+00> : vector<512x1024xf32>
    %dot_general3A_27 = tpu.matmul %get3A_3, %get3A_25, %dot_general3A_26 {dimension_numbers = #tpu.dot_dimension_numbers<[1], [0], [0], [1], [0, 0, 1, 1], [], []>, transpose_lhs_hint = false} : vector<512x1024xf32>, vector<1024x1024xf32>, vector<512x1024xf32> -> vector<512x1024xf32>
    %get3A_28 = arith.constant 0 : index
    %get3A_29 = vector.load %arg7[%get3A_28] : memref<1024xf32, #tpu.memory_space<vmem>>, vector<1024xf32>
    %broadcast_in_dim3A_30 = vector.shape_cast %get3A_29 : vector<1024xf32> to vector<1x1024xf32>
    %add3A_31 = vector.broadcast %broadcast_in_dim3A_30 : vector<1x1024xf32> to vector<512x1024xf32>
    %add3A_32 = arith.addf %dot_general3A_27, %add3A_31 : vector<512x1024xf32>
    %iota3A = tpu.iota {dimensions = array<i32: 0>} : vector<512x512xi32>
    %iota3A_33 = tpu.iota {dimensions = array<i32: 1>} : vector<512x512xi32>
    %ge3A = arith.cmpi sge, %iota3A, %iota3A_33 : vector<512x512xi32>
    %slice3A = vector.extract_strided_slice %mul3A_12 {offsets = [0, 0], sizes = [512, 64], strides = [1, 1]} : vector<512x1024xf32> to vector<512x64xf32>
    %slice3A_34 = vector.extract_strided_slice %add3A_22 {offsets = [0, 0], sizes = [512, 64], strides = [1, 1]} : vector<512x1024xf32> to vector<512x64xf32>
    %dot_general3A_35 = arith.constant dense<0.000000e+00> : vector<512x512xf32>
    %dot_general3A_36 = tpu.matmul %slice3A, %slice3A_34, %dot_general3A_35 {dimension_numbers = #tpu.dot_dimension_numbers<[1], [1], [0], [0], [0, 0, 1, 0], [], []>, transpose_lhs_hint = false} : vector<512x64xf32>, vector<512x64xf32>, vector<512x512xf32> -> vector<512x512xf32>
    %exp3A = math.exp %dot_general3A_36 : vector<512x512xf32>
    %jit3A = arith.constant 0.000000e+00 : f32
    %broadcast_in_dim3A_37 = vector.broadcast %jit3A : f32 to vector<512x512xf32>
    %select_n3A = arith.select %ge3A, %exp3A, %broadcast_in_dim3A_37 : vector<512x512xi1>, vector<512x512xf32>
    %reduce_sum3A = arith.constant dense<0.000000e+00> : vector<512xf32>
    %reduce_sum3A_38 = vector.multi_reduction <add>, %select_n3A, %reduce_sum3A [1] : vector<512x512xf32> to vector<512xf32>
    %broadcast_in_dim3A_39 = vector.shape_cast %reduce_sum3A_38 : vector<512xf32> to vector<512x1xf32>
    %slice3A_40 = vector.extract_strided_slice %add3A_32 {offsets = [0, 0], sizes = [512, 64], strides = [1, 1]} : vector<512x1024xf32> to vector<512x64xf32>
    %dot_general3A_41 = arith.constant dense<0.000000e+00> : vector<512x64xf32>
    %dot_general3A_42 = tpu.matmul %select_n3A, %slice3A_40, %dot_general3A_41 {dimension_numbers = #tpu.dot_dimension_numbers<[1], [0], [0], [1], [0, 0, 1, 1], [], []>, transpose_lhs_hint = false} : vector<512x512xf32>, vector<512x64xf32>, vector<512x64xf32> -> vector<512x64xf32>
    %div3A = vector.broadcast %broadcast_in_dim3A_39 : vector<512x1xf32> to vector<512x64xf32>
    %div3A_43 = arith.divf %dot_general3A_42, %div3A : vector<512x64xf32>
    %slice3A_44 = vector.extract_strided_slice %mul3A_12 {offsets = [0, 64], sizes = [512, 64], strides = [1, 1]} : vector<512x1024xf32> to vector<512x64xf32>
    %slice3A_45 = vector.extract_strided_slice %add3A_22 {offsets = [0, 64], sizes = [512, 64], strides = [1, 1]} : vector<512x1024xf32> to vector<512x64xf32>
    %dot_general3A_46 = arith.constant dense<0.000000e+00> : vector<512x512xf32>
    %dot_general3A_47 = tpu.matmul %slice3A_44, %slice3A_45, %dot_general3A_46 {dimension_numbers = #tpu.dot_dimension_numbers<[1], [1], [0], [0], [0, 0, 1, 0], [], []>, transpose_lhs_hint = false} : vector<512x64xf32>, vector<512x64xf32>, vector<512x512xf32> -> vector<512x512xf32>
    %exp3A_48 = math.exp %dot_general3A_47 : vector<512x512xf32>
    %jit3A_49 = arith.constant 0.000000e+00 : f32
    %broadcast_in_dim3A_50 = vector.broadcast %jit3A_49 : f32 to vector<512x512xf32>
    %select_n3A_51 = arith.select %ge3A, %exp3A_48, %broadcast_in_dim3A_50 : vector<512x512xi1>, vector<512x512xf32>
    %reduce_sum3A_52 = arith.constant dense<0.000000e+00> : vector<512xf32>
    %reduce_sum3A_53 = vector.multi_reduction <add>, %select_n3A_51, %reduce_sum3A_52 [1] : vector<512x512xf32> to vector<512xf32>
    %broadcast_in_dim3A_54 = vector.shape_cast %reduce_sum3A_53 : vector<512xf32> to vector<512x1xf32>
    %slice3A_55 = vector.extract_strided_slice %add3A_32 {offsets = [0, 64], sizes = [512, 64], strides = [1, 1]} : vector<512x1024xf32> to vector<512x64xf32>
    %dot_general3A_56 = arith.constant dense<0.000000e+00> : vector<512x64xf32>
    %dot_general3A_57 = tpu.matmul %select_n3A_51, %slice3A_55, %dot_general3A_56 {dimension_numbers = #tpu.dot_dimension_numbers<[1], [0], [0], [1], [0, 0, 1, 1], [], []>, transpose_lhs_hint = false} : vector<512x512xf32>, vector<512x64xf32>, vector<512x64xf32> -> vector<512x64xf32>
    %div3A_58 = vector.broadcast %broadcast_in_dim3A_54 : vector<512x1xf32> to vector<512x64xf32>
    %div3A_59 = arith.divf %dot_general3A_57, %div3A_58 : vector<512x64xf32>
    %slice3A_60 = vector.extract_strided_slice %mul3A_12 {offsets = [0, 128], sizes = [512, 64], strides = [1, 1]} : vector<512x1024xf32> to vector<512x64xf32>
    %slice3A_61 = vector.extract_strided_slice %add3A_22 {offsets = [0, 128], sizes = [512, 64], strides = [1, 1]} : vector<512x1024xf32> to vector<512x64xf32>
    %dot_general3A_62 = arith.constant dense<0.000000e+00> : vector<512x512xf32>
    %dot_general3A_63 = tpu.matmul %slice3A_60, %slice3A_61, %dot_general3A_62 {dimension_numbers = #tpu.dot_dimension_numbers<[1], [1], [0], [0], [0, 0, 1, 0], [], []>, transpose_lhs_hint = false} : vector<512x64xf32>, vector<512x64xf32>, vector<512x512xf32> -> vector<512x512xf32>
    %exp3A_64 = math.exp %dot_general3A_63 : vector<512x512xf32>
    %jit3A_65 = arith.constant 0.000000e+00 : f32
    %broadcast_in_dim3A_66 = vector.broadcast %jit3A_65 : f32 to vector<512x512xf32>
    %select_n3A_67 = arith.select %ge3A, %exp3A_64, %broadcast_in_dim3A_66 : vector<512x512xi1>, vector<512x512xf32>
    %reduce_sum3A_68 = arith.constant dense<0.000000e+00> : vector<512xf32>
    %reduce_sum3A_69 = vector.multi_reduction <add>, %select_n3A_67, %reduce_sum3A_68 [1] : vector<512x512xf32> to vector<512xf32>
    %broadcast_in_dim3A_70 = vector.shape_cast %reduce_sum3A_69 : vector<512xf32> to vector<512x1xf32>
    %slice3A_71 = vector.extract_strided_slice %add3A_32 {offsets = [0, 128], sizes = [512, 64], strides = [1, 1]} : vector<512x1024xf32> to vector<512x64xf32>
    %dot_general3A_72 = arith.constant dense<0.000000e+00> : vector<512x64xf32>
    %dot_general3A_73 = tpu.matmul %select_n3A_67, %slice3A_71, %dot_general3A_72 {dimension_numbers = #tpu.dot_dimension_numbers<[1], [0], [0], [1], [0, 0, 1, 1], [], []>, transpose_lhs_hint = false} : vector<512x512xf32>, vector<512x64xf32>, vector<512x64xf32> -> vector<512x64xf32>
    %div3A_74 = vector.broadcast %broadcast_in_dim3A_70 : vector<512x1xf32> to vector<512x64xf32>
    %div3A_75 = arith.divf %dot_general3A_73, %div3A_74 : vector<512x64xf32>
    %slice3A_76 = vector.extract_strided_slice %mul3A_12 {offsets = [0, 192], sizes = [512, 64], strides = [1, 1]} : vector<512x1024xf32> to vector<512x64xf32>
    %slice3A_77 = vector.extract_strided_slice %add3A_22 {offsets = [0, 192], sizes = [512, 64], strides = [1, 1]} : vector<512x1024xf32> to vector<512x64xf32>
    %dot_general3A_78 = arith.constant dense<0.000000e+00> : vector<512x512xf32>
    %dot_general3A_79 = tpu.matmul %slice3A_76, %slice3A_77, %dot_general3A_78 {dimension_numbers = #tpu.dot_dimension_numbers<[1], [1], [0], [0], [0, 0, 1, 0], [], []>, transpose_lhs_hint = false} : vector<512x64xf32>, vector<512x64xf32>, vector<512x512xf32> -> vector<512x512xf32>
    %exp3A_80 = math.exp %dot_general3A_79 : vector<512x512xf32>
    %jit3A_81 = arith.constant 0.000000e+00 : f32
    %broadcast_in_dim3A_82 = vector.broadcast %jit3A_81 : f32 to vector<512x512xf32>
    %select_n3A_83 = arith.select %ge3A, %exp3A_80, %broadcast_in_dim3A_82 : vector<512x512xi1>, vector<512x512xf32>
    %reduce_sum3A_84 = arith.constant dense<0.000000e+00> : vector<512xf32>
    %reduce_sum3A_85 = vector.multi_reduction <add>, %select_n3A_83, %reduce_sum3A_84 [1] : vector<512x512xf32> to vector<512xf32>
    %broadcast_in_dim3A_86 = vector.shape_cast %reduce_sum3A_85 : vector<512xf32> to vector<512x1xf32>
    %slice3A_87 = vector.extract_strided_slice %add3A_32 {offsets = [0, 192], sizes = [512, 64], strides = [1, 1]} : vector<512x1024xf32> to vector<512x64xf32>
    %dot_general3A_88 = arith.constant dense<0.000000e+00> : vector<512x64xf32>
    %dot_general3A_89 = tpu.matmul %select_n3A_83, %slice3A_87, %dot_general3A_88 {dimension_numbers = #tpu.dot_dimension_numbers<[1], [0], [0], [1], [0, 0, 1, 1], [], []>, transpose_lhs_hint = false} : vector<512x512xf32>, vector<512x64xf32>, vector<512x64xf32> -> vector<512x64xf32>
    %div3A_90 = vector.broadcast %broadcast_in_dim3A_86 : vector<512x1xf32> to vector<512x64xf32>
    %div3A_91 = arith.divf %dot_general3A_89, %div3A_90 : vector<512x64xf32>
    %slice3A_92 = vector.extract_strided_slice %mul3A_12 {offsets = [0, 256], sizes = [512, 64], strides = [1, 1]} : vector<512x1024xf32> to vector<512x64xf32>
    %slice3A_93 = vector.extract_strided_slice %add3A_22 {offsets = [0, 256], sizes = [512, 64], strides = [1, 1]} : vector<512x1024xf32> to vector<512x64xf32>
    %dot_general3A_94 = arith.constant dense<0.000000e+00> : vector<512x512xf32>
    %dot_general3A_95 = tpu.matmul %slice3A_92, %slice3A_93, %dot_general3A_94 {dimension_numbers = #tpu.dot_dimension_numbers<[1], [1], [0], [0], [0, 0, 1, 0], [], []>, transpose_lhs_hint = false} : vector<512x64xf32>, vector<512x64xf32>, vector<512x512xf32> -> vector<512x512xf32>
    %exp3A_96 = math.exp %dot_general3A_95 : vector<512x512xf32>
    %jit3A_97 = arith.constant 0.000000e+00 : f32
    %broadcast_in_dim3A_98 = vector.broadcast %jit3A_97 : f32 to vector<512x512xf32>
    %select_n3A_99 = arith.select %ge3A, %exp3A_96, %broadcast_in_dim3A_98 : vector<512x512xi1>, vector<512x512xf32>
    %reduce_sum3A_100 = arith.constant dense<0.000000e+00> : vector<512xf32>
    %reduce_sum3A_101 = vector.multi_reduction <add>, %select_n3A_99, %reduce_sum3A_100 [1] : vector<512x512xf32> to vector<512xf32>
    %broadcast_in_dim3A_102 = vector.shape_cast %reduce_sum3A_101 : vector<512xf32> to vector<512x1xf32>
    %slice3A_103 = vector.extract_strided_slice %add3A_32 {offsets = [0, 256], sizes = [512, 64], strides = [1, 1]} : vector<512x1024xf32> to vector<512x64xf32>
    %dot_general3A_104 = arith.constant dense<0.000000e+00> : vector<512x64xf32>
    %dot_general3A_105 = tpu.matmul %select_n3A_99, %slice3A_103, %dot_general3A_104 {dimension_numbers = #tpu.dot_dimension_numbers<[1], [0], [0], [1], [0, 0, 1, 1], [], []>, transpose_lhs_hint = false} : vector<512x512xf32>, vector<512x64xf32>, vector<512x64xf32> -> vector<512x64xf32>
    %div3A_106 = vector.broadcast %broadcast_in_dim3A_102 : vector<512x1xf32> to vector<512x64xf32>
    %div3A_107 = arith.divf %dot_general3A_105, %div3A_106 : vector<512x64xf32>
    %slice3A_108 = vector.extract_strided_slice %mul3A_12 {offsets = [0, 320], sizes = [512, 64], strides = [1, 1]} : vector<512x1024xf32> to vector<512x64xf32>
    %slice3A_109 = vector.extract_strided_slice %add3A_22 {offsets = [0, 320], sizes = [512, 64], strides = [1, 1]} : vector<512x1024xf32> to vector<512x64xf32>
    %dot_general3A_110 = arith.constant dense<0.000000e+00> : vector<512x512xf32>
    %dot_general3A_111 = tpu.matmul %slice3A_108, %slice3A_109, %dot_general3A_110 {dimension_numbers = #tpu.dot_dimension_numbers<[1], [1], [0], [0], [0, 0, 1, 0], [], []>, transpose_lhs_hint = false} : vector<512x64xf32>, vector<512x64xf32>, vector<512x512xf32> -> vector<512x512xf32>
    %exp3A_112 = math.exp %dot_general3A_111 : vector<512x512xf32>
    %jit3A_113 = arith.constant 0.000000e+00 : f32
    %broadcast_in_dim3A_114 = vector.broadcast %jit3A_113 : f32 to vector<512x512xf32>
    %select_n3A_115 = arith.select %ge3A, %exp3A_112, %broadcast_in_dim3A_114 : vector<512x512xi1>, vector<512x512xf32>
    %reduce_sum3A_116 = arith.constant dense<0.000000e+00> : vector<512xf32>
    %reduce_sum3A_117 = vector.multi_reduction <add>, %select_n3A_115, %reduce_sum3A_116 [1] : vector<512x512xf32> to vector<512xf32>
    %broadcast_in_dim3A_118 = vector.shape_cast %reduce_sum3A_117 : vector<512xf32> to vector<512x1xf32>
    %slice3A_119 = vector.extract_strided_slice %add3A_32 {offsets = [0, 320], sizes = [512, 64], strides = [1, 1]} : vector<512x1024xf32> to vector<512x64xf32>
    %dot_general3A_120 = arith.constant dense<0.000000e+00> : vector<512x64xf32>
    %dot_general3A_121 = tpu.matmul %select_n3A_115, %slice3A_119, %dot_general3A_120 {dimension_numbers = #tpu.dot_dimension_numbers<[1], [0], [0], [1], [0, 0, 1, 1], [], []>, transpose_lhs_hint = false} : vector<512x512xf32>, vector<512x64xf32>, vector<512x64xf32> -> vector<512x64xf32>
    %div3A_122 = vector.broadcast %broadcast_in_dim3A_118 : vector<512x1xf32> to vector<512x64xf32>
    %div3A_123 = arith.divf %dot_general3A_121, %div3A_122 : vector<512x64xf32>
    %slice3A_124 = vector.extract_strided_slice %mul3A_12 {offsets = [0, 384], sizes = [512, 64], strides = [1, 1]} : vector<512x1024xf32> to vector<512x64xf32>
    %slice3A_125 = vector.extract_strided_slice %add3A_22 {offsets = [0, 384], sizes = [512, 64], strides = [1, 1]} : vector<512x1024xf32> to vector<512x64xf32>
    %dot_general3A_126 = arith.constant dense<0.000000e+00> : vector<512x512xf32>
    %dot_general3A_127 = tpu.matmul %slice3A_124, %slice3A_125, %dot_general3A_126 {dimension_numbers = #tpu.dot_dimension_numbers<[1], [1], [0], [0], [0, 0, 1, 0], [], []>, transpose_lhs_hint = false} : vector<512x64xf32>, vector<512x64xf32>, vector<512x512xf32> -> vector<512x512xf32>
    %exp3A_128 = math.exp %dot_general3A_127 : vector<512x512xf32>
    %jit3A_129 = arith.constant 0.000000e+00 : f32
    %broadcast_in_dim3A_130 = vector.broadcast %jit3A_129 : f32 to vector<512x512xf32>
    %select_n3A_131 = arith.select %ge3A, %exp3A_128, %broadcast_in_dim3A_130 : vector<512x512xi1>, vector<512x512xf32>
    %reduce_sum3A_132 = arith.constant dense<0.000000e+00> : vector<512xf32>
    %reduce_sum3A_133 = vector.multi_reduction <add>, %select_n3A_131, %reduce_sum3A_132 [1] : vector<512x512xf32> to vector<512xf32>
    %broadcast_in_dim3A_134 = vector.shape_cast %reduce_sum3A_133 : vector<512xf32> to vector<512x1xf32>
    %slice3A_135 = vector.extract_strided_slice %add3A_32 {offsets = [0, 384], sizes = [512, 64], strides = [1, 1]} : vector<512x1024xf32> to vector<512x64xf32>
    %dot_general3A_136 = arith.constant dense<0.000000e+00> : vector<512x64xf32>
    %dot_general3A_137 = tpu.matmul %select_n3A_131, %slice3A_135, %dot_general3A_136 {dimension_numbers = #tpu.dot_dimension_numbers<[1], [0], [0], [1], [0, 0, 1, 1], [], []>, transpose_lhs_hint = false} : vector<512x512xf32>, vector<512x64xf32>, vector<512x64xf32> -> vector<512x64xf32>
    %div3A_138 = vector.broadcast %broadcast_in_dim3A_134 : vector<512x1xf32> to vector<512x64xf32>
    %div3A_139 = arith.divf %dot_general3A_137, %div3A_138 : vector<512x64xf32>
    %slice3A_140 = vector.extract_strided_slice %mul3A_12 {offsets = [0, 448], sizes = [512, 64], strides = [1, 1]} : vector<512x1024xf32> to vector<512x64xf32>
    %slice3A_141 = vector.extract_strided_slice %add3A_22 {offsets = [0, 448], sizes = [512, 64], strides = [1, 1]} : vector<512x1024xf32> to vector<512x64xf32>
    %dot_general3A_142 = arith.constant dense<0.000000e+00> : vector<512x512xf32>
    %dot_general3A_143 = tpu.matmul %slice3A_140, %slice3A_141, %dot_general3A_142 {dimension_numbers = #tpu.dot_dimension_numbers<[1], [1], [0], [0], [0, 0, 1, 0], [], []>, transpose_lhs_hint = false} : vector<512x64xf32>, vector<512x64xf32>, vector<512x512xf32> -> vector<512x512xf32>
    %exp3A_144 = math.exp %dot_general3A_143 : vector<512x512xf32>
    %jit3A_145 = arith.constant 0.000000e+00 : f32
    %broadcast_in_dim3A_146 = vector.broadcast %jit3A_145 : f32 to vector<512x512xf32>
    %select_n3A_147 = arith.select %ge3A, %exp3A_144, %broadcast_in_dim3A_146 : vector<512x512xi1>, vector<512x512xf32>
    %reduce_sum3A_148 = arith.constant dense<0.000000e+00> : vector<512xf32>
    %reduce_sum3A_149 = vector.multi_reduction <add>, %select_n3A_147, %reduce_sum3A_148 [1] : vector<512x512xf32> to vector<512xf32>
    %broadcast_in_dim3A_150 = vector.shape_cast %reduce_sum3A_149 : vector<512xf32> to vector<512x1xf32>
    %slice3A_151 = vector.extract_strided_slice %add3A_32 {offsets = [0, 448], sizes = [512, 64], strides = [1, 1]} : vector<512x1024xf32> to vector<512x64xf32>
    %dot_general3A_152 = arith.constant dense<0.000000e+00> : vector<512x64xf32>
    %dot_general3A_153 = tpu.matmul %select_n3A_147, %slice3A_151, %dot_general3A_152 {dimension_numbers = #tpu.dot_dimension_numbers<[1], [0], [0], [1], [0, 0, 1, 1], [], []>, transpose_lhs_hint = false} : vector<512x512xf32>, vector<512x64xf32>, vector<512x64xf32> -> vector<512x64xf32>
    %div3A_154 = vector.broadcast %broadcast_in_dim3A_150 : vector<512x1xf32> to vector<512x64xf32>
    %div3A_155 = arith.divf %dot_general3A_153, %div3A_154 : vector<512x64xf32>
    %slice3A_156 = vector.extract_strided_slice %mul3A_12 {offsets = [0, 512], sizes = [512, 64], strides = [1, 1]} : vector<512x1024xf32> to vector<512x64xf32>
    %slice3A_157 = vector.extract_strided_slice %add3A_22 {offsets = [0, 512], sizes = [512, 64], strides = [1, 1]} : vector<512x1024xf32> to vector<512x64xf32>
    %dot_general3A_158 = arith.constant dense<0.000000e+00> : vector<512x512xf32>
    %dot_general3A_159 = tpu.matmul %slice3A_156, %slice3A_157, %dot_general3A_158 {dimension_numbers = #tpu.dot_dimension_numbers<[1], [1], [0], [0], [0, 0, 1, 0], [], []>, transpose_lhs_hint = false} : vector<512x64xf32>, vector<512x64xf32>, vector<512x512xf32> -> vector<512x512xf32>
    %exp3A_160 = math.exp %dot_general3A_159 : vector<512x512xf32>
    %jit3A_161 = arith.constant 0.000000e+00 : f32
    %broadcast_in_dim3A_162 = vector.broadcast %jit3A_161 : f32 to vector<512x512xf32>
    %select_n3A_163 = arith.select %ge3A, %exp3A_160, %broadcast_in_dim3A_162 : vector<512x512xi1>, vector<512x512xf32>
    %reduce_sum3A_164 = arith.constant dense<0.000000e+00> : vector<512xf32>
    %reduce_sum3A_165 = vector.multi_reduction <add>, %select_n3A_163, %reduce_sum3A_164 [1] : vector<512x512xf32> to vector<512xf32>
    %broadcast_in_dim3A_166 = vector.shape_cast %reduce_sum3A_165 : vector<512xf32> to vector<512x1xf32>
    %slice3A_167 = vector.extract_strided_slice %add3A_32 {offsets = [0, 512], sizes = [512, 64], strides = [1, 1]} : vector<512x1024xf32> to vector<512x64xf32>
    %dot_general3A_168 = arith.constant dense<0.000000e+00> : vector<512x64xf32>
    %dot_general3A_169 = tpu.matmul %select_n3A_163, %slice3A_167, %dot_general3A_168 {dimension_numbers = #tpu.dot_dimension_numbers<[1], [0], [0], [1], [0, 0, 1, 1], [], []>, transpose_lhs_hint = false} : vector<512x512xf32>, vector<512x64xf32>, vector<512x64xf32> -> vector<512x64xf32>
    %div3A_170 = vector.broadcast %broadcast_in_dim3A_166 : vector<512x1xf32> to vector<512x64xf32>
    %div3A_171 = arith.divf %dot_general3A_169, %div3A_170 : vector<512x64xf32>
    %slice3A_172 = vector.extract_strided_slice %mul3A_12 {offsets = [0, 576], sizes = [512, 64], strides = [1, 1]} : vector<512x1024xf32> to vector<512x64xf32>
    %slice3A_173 = vector.extract_strided_slice %add3A_22 {offsets = [0, 576], sizes = [512, 64], strides = [1, 1]} : vector<512x1024xf32> to vector<512x64xf32>
    %dot_general3A_174 = arith.constant dense<0.000000e+00> : vector<512x512xf32>
    %dot_general3A_175 = tpu.matmul %slice3A_172, %slice3A_173, %dot_general3A_174 {dimension_numbers = #tpu.dot_dimension_numbers<[1], [1], [0], [0], [0, 0, 1, 0], [], []>, transpose_lhs_hint = false} : vector<512x64xf32>, vector<512x64xf32>, vector<512x512xf32> -> vector<512x512xf32>
    %exp3A_176 = math.exp %dot_general3A_175 : vector<512x512xf32>
    %jit3A_177 = arith.constant 0.000000e+00 : f32
    %broadcast_in_dim3A_178 = vector.broadcast %jit3A_177 : f32 to vector<512x512xf32>
    %select_n3A_179 = arith.select %ge3A, %exp3A_176, %broadcast_in_dim3A_178 : vector<512x512xi1>, vector<512x512xf32>
    %reduce_sum3A_180 = arith.constant dense<0.000000e+00> : vector<512xf32>
    %reduce_sum3A_181 = vector.multi_reduction <add>, %select_n3A_179, %reduce_sum3A_180 [1] : vector<512x512xf32> to vector<512xf32>
    %broadcast_in_dim3A_182 = vector.shape_cast %reduce_sum3A_181 : vector<512xf32> to vector<512x1xf32>
    %slice3A_183 = vector.extract_strided_slice %add3A_32 {offsets = [0, 576], sizes = [512, 64], strides = [1, 1]} : vector<512x1024xf32> to vector<512x64xf32>
    %dot_general3A_184 = arith.constant dense<0.000000e+00> : vector<512x64xf32>
    %dot_general3A_185 = tpu.matmul %select_n3A_179, %slice3A_183, %dot_general3A_184 {dimension_numbers = #tpu.dot_dimension_numbers<[1], [0], [0], [1], [0, 0, 1, 1], [], []>, transpose_lhs_hint = false} : vector<512x512xf32>, vector<512x64xf32>, vector<512x64xf32> -> vector<512x64xf32>
    %div3A_186 = vector.broadcast %broadcast_in_dim3A_182 : vector<512x1xf32> to vector<512x64xf32>
    %div3A_187 = arith.divf %dot_general3A_185, %div3A_186 : vector<512x64xf32>
    %slice3A_188 = vector.extract_strided_slice %mul3A_12 {offsets = [0, 640], sizes = [512, 64], strides = [1, 1]} : vector<512x1024xf32> to vector<512x64xf32>
    %slice3A_189 = vector.extract_strided_slice %add3A_22 {offsets = [0, 640], sizes = [512, 64], strides = [1, 1]} : vector<512x1024xf32> to vector<512x64xf32>
    %dot_general3A_190 = arith.constant dense<0.000000e+00> : vector<512x512xf32>
    %dot_general3A_191 = tpu.matmul %slice3A_188, %slice3A_189, %dot_general3A_190 {dimension_numbers = #tpu.dot_dimension_numbers<[1], [1], [0], [0], [0, 0, 1, 0], [], []>, transpose_lhs_hint = false} : vector<512x64xf32>, vector<512x64xf32>, vector<512x512xf32> -> vector<512x512xf32>
    %exp3A_192 = math.exp %dot_general3A_191 : vector<512x512xf32>
    %jit3A_193 = arith.constant 0.000000e+00 : f32
    %broadcast_in_dim3A_194 = vector.broadcast %jit3A_193 : f32 to vector<512x512xf32>
    %select_n3A_195 = arith.select %ge3A, %exp3A_192, %broadcast_in_dim3A_194 : vector<512x512xi1>, vector<512x512xf32>
    %reduce_sum3A_196 = arith.constant dense<0.000000e+00> : vector<512xf32>
    %reduce_sum3A_197 = vector.multi_reduction <add>, %select_n3A_195, %reduce_sum3A_196 [1] : vector<512x512xf32> to vector<512xf32>
    %broadcast_in_dim3A_198 = vector.shape_cast %reduce_sum3A_197 : vector<512xf32> to vector<512x1xf32>
    %slice3A_199 = vector.extract_strided_slice %add3A_32 {offsets = [0, 640], sizes = [512, 64], strides = [1, 1]} : vector<512x1024xf32> to vector<512x64xf32>
    %dot_general3A_200 = arith.constant dense<0.000000e+00> : vector<512x64xf32>
    %dot_general3A_201 = tpu.matmul %select_n3A_195, %slice3A_199, %dot_general3A_200 {dimension_numbers = #tpu.dot_dimension_numbers<[1], [0], [0], [1], [0, 0, 1, 1], [], []>, transpose_lhs_hint = false} : vector<512x512xf32>, vector<512x64xf32>, vector<512x64xf32> -> vector<512x64xf32>
    %div3A_202 = vector.broadcast %broadcast_in_dim3A_198 : vector<512x1xf32> to vector<512x64xf32>
    %div3A_203 = arith.divf %dot_general3A_201, %div3A_202 : vector<512x64xf32>
    %slice3A_204 = vector.extract_strided_slice %mul3A_12 {offsets = [0, 704], sizes = [512, 64], strides = [1, 1]} : vector<512x1024xf32> to vector<512x64xf32>
    %slice3A_205 = vector.extract_strided_slice %add3A_22 {offsets = [0, 704], sizes = [512, 64], strides = [1, 1]} : vector<512x1024xf32> to vector<512x64xf32>
    %dot_general3A_206 = arith.constant dense<0.000000e+00> : vector<512x512xf32>
    %dot_general3A_207 = tpu.matmul %slice3A_204, %slice3A_205, %dot_general3A_206 {dimension_numbers = #tpu.dot_dimension_numbers<[1], [1], [0], [0], [0, 0, 1, 0], [], []>, transpose_lhs_hint = false} : vector<512x64xf32>, vector<512x64xf32>, vector<512x512xf32> -> vector<512x512xf32>
    %exp3A_208 = math.exp %dot_general3A_207 : vector<512x512xf32>
    %jit3A_209 = arith.constant 0.000000e+00 : f32
    %broadcast_in_dim3A_210 = vector.broadcast %jit3A_209 : f32 to vector<512x512xf32>
    %select_n3A_211 = arith.select %ge3A, %exp3A_208, %broadcast_in_dim3A_210 : vector<512x512xi1>, vector<512x512xf32>
    %reduce_sum3A_212 = arith.constant dense<0.000000e+00> : vector<512xf32>
    %reduce_sum3A_213 = vector.multi_reduction <add>, %select_n3A_211, %reduce_sum3A_212 [1] : vector<512x512xf32> to vector<512xf32>
    %broadcast_in_dim3A_214 = vector.shape_cast %reduce_sum3A_213 : vector<512xf32> to vector<512x1xf32>
    %slice3A_215 = vector.extract_strided_slice %add3A_32 {offsets = [0, 704], sizes = [512, 64], strides = [1, 1]} : vector<512x1024xf32> to vector<512x64xf32>
    %dot_general3A_216 = arith.constant dense<0.000000e+00> : vector<512x64xf32>
    %dot_general3A_217 = tpu.matmul %select_n3A_211, %slice3A_215, %dot_general3A_216 {dimension_numbers = #tpu.dot_dimension_numbers<[1], [0], [0], [1], [0, 0, 1, 1], [], []>, transpose_lhs_hint = false} : vector<512x512xf32>, vector<512x64xf32>, vector<512x64xf32> -> vector<512x64xf32>
    %div3A_218 = vector.broadcast %broadcast_in_dim3A_214 : vector<512x1xf32> to vector<512x64xf32>
    %div3A_219 = arith.divf %dot_general3A_217, %div3A_218 : vector<512x64xf32>
    %slice3A_220 = vector.extract_strided_slice %mul3A_12 {offsets = [0, 768], sizes = [512, 64], strides = [1, 1]} : vector<512x1024xf32> to vector<512x64xf32>
    %slice3A_221 = vector.extract_strided_slice %add3A_22 {offsets = [0, 768], sizes = [512, 64], strides = [1, 1]} : vector<512x1024xf32> to vector<512x64xf32>
    %dot_general3A_222 = arith.constant dense<0.000000e+00> : vector<512x512xf32>
    %dot_general3A_223 = tpu.matmul %slice3A_220, %slice3A_221, %dot_general3A_222 {dimension_numbers = #tpu.dot_dimension_numbers<[1], [1], [0], [0], [0, 0, 1, 0], [], []>, transpose_lhs_hint = false} : vector<512x64xf32>, vector<512x64xf32>, vector<512x512xf32> -> vector<512x512xf32>
    %exp3A_224 = math.exp %dot_general3A_223 : vector<512x512xf32>
    %jit3A_225 = arith.constant 0.000000e+00 : f32
    %broadcast_in_dim3A_226 = vector.broadcast %jit3A_225 : f32 to vector<512x512xf32>
    %select_n3A_227 = arith.select %ge3A, %exp3A_224, %broadcast_in_dim3A_226 : vector<512x512xi1>, vector<512x512xf32>
    %reduce_sum3A_228 = arith.constant dense<0.000000e+00> : vector<512xf32>
    %reduce_sum3A_229 = vector.multi_reduction <add>, %select_n3A_227, %reduce_sum3A_228 [1] : vector<512x512xf32> to vector<512xf32>
    %broadcast_in_dim3A_230 = vector.shape_cast %reduce_sum3A_229 : vector<512xf32> to vector<512x1xf32>
    %slice3A_231 = vector.extract_strided_slice %add3A_32 {offsets = [0, 768], sizes = [512, 64], strides = [1, 1]} : vector<512x1024xf32> to vector<512x64xf32>
    %dot_general3A_232 = arith.constant dense<0.000000e+00> : vector<512x64xf32>
    %dot_general3A_233 = tpu.matmul %select_n3A_227, %slice3A_231, %dot_general3A_232 {dimension_numbers = #tpu.dot_dimension_numbers<[1], [0], [0], [1], [0, 0, 1, 1], [], []>, transpose_lhs_hint = false} : vector<512x512xf32>, vector<512x64xf32>, vector<512x64xf32> -> vector<512x64xf32>
    %div3A_234 = vector.broadcast %broadcast_in_dim3A_230 : vector<512x1xf32> to vector<512x64xf32>
    %div3A_235 = arith.divf %dot_general3A_233, %div3A_234 : vector<512x64xf32>
    %slice3A_236 = vector.extract_strided_slice %mul3A_12 {offsets = [0, 832], sizes = [512, 64], strides = [1, 1]} : vector<512x1024xf32> to vector<512x64xf32>
    %slice3A_237 = vector.extract_strided_slice %add3A_22 {offsets = [0, 832], sizes = [512, 64], strides = [1, 1]} : vector<512x1024xf32> to vector<512x64xf32>
    %dot_general3A_238 = arith.constant dense<0.000000e+00> : vector<512x512xf32>
    %dot_general3A_239 = tpu.matmul %slice3A_236, %slice3A_237, %dot_general3A_238 {dimension_numbers = #tpu.dot_dimension_numbers<[1], [1], [0], [0], [0, 0, 1, 0], [], []>, transpose_lhs_hint = false} : vector<512x64xf32>, vector<512x64xf32>, vector<512x512xf32> -> vector<512x512xf32>
    %exp3A_240 = math.exp %dot_general3A_239 : vector<512x512xf32>
    %jit3A_241 = arith.constant 0.000000e+00 : f32
    %broadcast_in_dim3A_242 = vector.broadcast %jit3A_241 : f32 to vector<512x512xf32>
    %select_n3A_243 = arith.select %ge3A, %exp3A_240, %broadcast_in_dim3A_242 : vector<512x512xi1>, vector<512x512xf32>
    %reduce_sum3A_244 = arith.constant dense<0.000000e+00> : vector<512xf32>
    %reduce_sum3A_245 = vector.multi_reduction <add>, %select_n3A_243, %reduce_sum3A_244 [1] : vector<512x512xf32> to vector<512xf32>
    %broadcast_in_dim3A_246 = vector.shape_cast %reduce_sum3A_245 : vector<512xf32> to vector<512x1xf32>
    %slice3A_247 = vector.extract_strided_slice %add3A_32 {offsets = [0, 832], sizes = [512, 64], strides = [1, 1]} : vector<512x1024xf32> to vector<512x64xf32>
    %dot_general3A_248 = arith.constant dense<0.000000e+00> : vector<512x64xf32>
    %dot_general3A_249 = tpu.matmul %select_n3A_243, %slice3A_247, %dot_general3A_248 {dimension_numbers = #tpu.dot_dimension_numbers<[1], [0], [0], [1], [0, 0, 1, 1], [], []>, transpose_lhs_hint = false} : vector<512x512xf32>, vector<512x64xf32>, vector<512x64xf32> -> vector<512x64xf32>
    %div3A_250 = vector.broadcast %broadcast_in_dim3A_246 : vector<512x1xf32> to vector<512x64xf32>
    %div3A_251 = arith.divf %dot_general3A_249, %div3A_250 : vector<512x64xf32>
    %slice3A_252 = vector.extract_strided_slice %mul3A_12 {offsets = [0, 896], sizes = [512, 64], strides = [1, 1]} : vector<512x1024xf32> to vector<512x64xf32>
    %slice3A_253 = vector.extract_strided_slice %add3A_22 {offsets = [0, 896], sizes = [512, 64], strides = [1, 1]} : vector<512x1024xf32> to vector<512x64xf32>
    %dot_general3A_254 = arith.constant dense<0.000000e+00> : vector<512x512xf32>
    %dot_general3A_255 = tpu.matmul %slice3A_252, %slice3A_253, %dot_general3A_254 {dimension_numbers = #tpu.dot_dimension_numbers<[1], [1], [0], [0], [0, 0, 1, 0], [], []>, transpose_lhs_hint = false} : vector<512x64xf32>, vector<512x64xf32>, vector<512x512xf32> -> vector<512x512xf32>
    %exp3A_256 = math.exp %dot_general3A_255 : vector<512x512xf32>
    %jit3A_257 = arith.constant 0.000000e+00 : f32
    %broadcast_in_dim3A_258 = vector.broadcast %jit3A_257 : f32 to vector<512x512xf32>
    %select_n3A_259 = arith.select %ge3A, %exp3A_256, %broadcast_in_dim3A_258 : vector<512x512xi1>, vector<512x512xf32>
    %reduce_sum3A_260 = arith.constant dense<0.000000e+00> : vector<512xf32>
    %reduce_sum3A_261 = vector.multi_reduction <add>, %select_n3A_259, %reduce_sum3A_260 [1] : vector<512x512xf32> to vector<512xf32>
    %broadcast_in_dim3A_262 = vector.shape_cast %reduce_sum3A_261 : vector<512xf32> to vector<512x1xf32>
    %slice3A_263 = vector.extract_strided_slice %add3A_32 {offsets = [0, 896], sizes = [512, 64], strides = [1, 1]} : vector<512x1024xf32> to vector<512x64xf32>
    %dot_general3A_264 = arith.constant dense<0.000000e+00> : vector<512x64xf32>
    %dot_general3A_265 = tpu.matmul %select_n3A_259, %slice3A_263, %dot_general3A_264 {dimension_numbers = #tpu.dot_dimension_numbers<[1], [0], [0], [1], [0, 0, 1, 1], [], []>, transpose_lhs_hint = false} : vector<512x512xf32>, vector<512x64xf32>, vector<512x64xf32> -> vector<512x64xf32>
    %div3A_266 = vector.broadcast %broadcast_in_dim3A_262 : vector<512x1xf32> to vector<512x64xf32>
    %div3A_267 = arith.divf %dot_general3A_265, %div3A_266 : vector<512x64xf32>
    %slice3A_268 = vector.extract_strided_slice %mul3A_12 {offsets = [0, 960], sizes = [512, 64], strides = [1, 1]} : vector<512x1024xf32> to vector<512x64xf32>
    %slice3A_269 = vector.extract_strided_slice %add3A_22 {offsets = [0, 960], sizes = [512, 64], strides = [1, 1]} : vector<512x1024xf32> to vector<512x64xf32>
    %dot_general3A_270 = arith.constant dense<0.000000e+00> : vector<512x512xf32>
    %dot_general3A_271 = tpu.matmul %slice3A_268, %slice3A_269, %dot_general3A_270 {dimension_numbers = #tpu.dot_dimension_numbers<[1], [1], [0], [0], [0, 0, 1, 0], [], []>, transpose_lhs_hint = false} : vector<512x64xf32>, vector<512x64xf32>, vector<512x512xf32> -> vector<512x512xf32>
    %exp3A_272 = math.exp %dot_general3A_271 : vector<512x512xf32>
    %jit3A_273 = arith.constant 0.000000e+00 : f32
    %broadcast_in_dim3A_274 = vector.broadcast %jit3A_273 : f32 to vector<512x512xf32>
    %select_n3A_275 = arith.select %ge3A, %exp3A_272, %broadcast_in_dim3A_274 : vector<512x512xi1>, vector<512x512xf32>
    %reduce_sum3A_276 = arith.constant dense<0.000000e+00> : vector<512xf32>
    %reduce_sum3A_277 = vector.multi_reduction <add>, %select_n3A_275, %reduce_sum3A_276 [1] : vector<512x512xf32> to vector<512xf32>
    %broadcast_in_dim3A_278 = vector.shape_cast %reduce_sum3A_277 : vector<512xf32> to vector<512x1xf32>
    %slice3A_279 = vector.extract_strided_slice %add3A_32 {offsets = [0, 960], sizes = [512, 64], strides = [1, 1]} : vector<512x1024xf32> to vector<512x64xf32>
    %dot_general3A_280 = arith.constant dense<0.000000e+00> : vector<512x64xf32>
    %dot_general3A_281 = tpu.matmul %select_n3A_275, %slice3A_279, %dot_general3A_280 {dimension_numbers = #tpu.dot_dimension_numbers<[1], [0], [0], [1], [0, 0, 1, 1], [], []>, transpose_lhs_hint = false} : vector<512x512xf32>, vector<512x64xf32>, vector<512x64xf32> -> vector<512x64xf32>
    %div3A_282 = vector.broadcast %broadcast_in_dim3A_278 : vector<512x1xf32> to vector<512x64xf32>
    %div3A_283 = arith.divf %dot_general3A_281, %div3A_282 : vector<512x64xf32>
    %concatenate3A = tpu.concatenate %div3A_43, %div3A_59, %div3A_75, %div3A_91, %div3A_107, %div3A_123, %div3A_139, %div3A_155, %div3A_171, %div3A_187, %div3A_203, %div3A_219, %div3A_235, %div3A_251, %div3A_267, %div3A_283 in 1 : vector<512x64xf32>, vector<512x64xf32>, vector<512x64xf32>, vector<512x64xf32>, vector<512x64xf32>, vector<512x64xf32>, vector<512x64xf32>, vector<512x64xf32>, vector<512x64xf32>, vector<512x64xf32>, vector<512x64xf32>, vector<512x64xf32>, vector<512x64xf32>, vector<512x64xf32>, vector<512x64xf32>, vector<512x64xf32> -> vector<512x1024xf32>
    %get3A_284 = arith.constant 0 : index
    %get3A_285 = arith.constant 0 : index
    %get3A_286 = vector.load %arg8[%get3A_284, %get3A_285] : memref<1024x1024xf32, #tpu.memory_space<vmem>>, vector<1024x1024xf32>
    %dot_general3A_287 = arith.constant dense<0.000000e+00> : vector<512x1024xf32>
    %dot_general3A_288 = tpu.matmul %concatenate3A, %get3A_286, %dot_general3A_287 {dimension_numbers = #tpu.dot_dimension_numbers<[1], [0], [0], [1], [0, 0, 1, 1], [], []>, transpose_lhs_hint = false} : vector<512x1024xf32>, vector<1024x1024xf32>, vector<512x1024xf32> -> vector<512x1024xf32>
    %get3A_289 = arith.constant 0 : index
    %get3A_290 = vector.load %arg9[%get3A_289] : memref<1024xf32, #tpu.memory_space<vmem>>, vector<1024xf32>
    %broadcast_in_dim3A_291 = vector.shape_cast %get3A_290 : vector<1024xf32> to vector<1x1024xf32>
    %add3A_292 = vector.broadcast %broadcast_in_dim3A_291 : vector<1x1024xf32> to vector<512x1024xf32>
    %add3A_293 = arith.addf %dot_general3A_288, %add3A_292 : vector<512x1024xf32>
    %reduce_sum3A_294 = arith.constant dense<0.000000e+00> : vector<512xf32>
    %reduce_sum3A_295 = vector.multi_reduction <add>, %add3A_293, %reduce_sum3A_294 [1] : vector<512x1024xf32> to vector<512xf32>
    %broadcast_in_dim3A_296 = vector.shape_cast %reduce_sum3A_295 : vector<512xf32> to vector<512x1xf32>
    %div3A_297 = arith.constant 1.024000e+03 : f32
    %div3A_298 = vector.broadcast %div3A_297 : f32 to vector<512x1xf32>
    %div3A_299 = arith.divf %broadcast_in_dim3A_296, %div3A_298 : vector<512x1xf32>
    %sub3A = vector.broadcast %div3A_299 : vector<512x1xf32> to vector<512x1024xf32>
    %sub3A_300 = arith.subf %add3A_293, %sub3A : vector<512x1024xf32>
    %mul3A_301 = arith.mulf %sub3A_300, %sub3A_300 : vector<512x1024xf32>
    %reduce_sum3A_302 = arith.constant dense<0.000000e+00> : vector<512xf32>
    %reduce_sum3A_303 = vector.multi_reduction <add>, %mul3A_301, %reduce_sum3A_302 [1] : vector<512x1024xf32> to vector<512xf32>
    %broadcast_in_dim3A_304 = vector.shape_cast %reduce_sum3A_303 : vector<512xf32> to vector<512x1xf32>
    %div3A_305 = arith.constant 1.024000e+03 : f32
    %div3A_306 = vector.broadcast %div3A_305 : f32 to vector<512x1xf32>
    %div3A_307 = arith.divf %broadcast_in_dim3A_304, %div3A_306 : vector<512x1xf32>
    %add3A_308 = arith.constant 9.99999974E-6 : f32
    %add3A_309 = vector.broadcast %add3A_308 : f32 to vector<512x1xf32>
    %add3A_310 = arith.addf %div3A_307, %add3A_309 : vector<512x1xf32>
    %rsqrt3A = math.rsqrt %add3A_310 : vector<512x1xf32>
    %mul3A_311 = vector.broadcast %rsqrt3A : vector<512x1xf32> to vector<512x1024xf32>
    %mul3A_312 = arith.mulf %sub3A_300, %mul3A_311 : vector<512x1024xf32>
    %get3A_313 = arith.constant 0 : index
    %get3A_314 = vector.load %arg10[%get3A_313] : memref<1024xf32, #tpu.memory_space<vmem>>, vector<1024xf32>
    %broadcast_in_dim3A_315 = vector.shape_cast %get3A_314 : vector<1024xf32> to vector<1x1024xf32>
    %mul3A_316 = vector.broadcast %broadcast_in_dim3A_315 : vector<1x1024xf32> to vector<512x1024xf32>
    %mul3A_317 = arith.mulf %mul3A_312, %mul3A_316 : vector<512x1024xf32>
    %get3A_318 = arith.constant 0 : index
    %get3A_319 = vector.load %arg11[%get3A_318] : memref<1024xf32, #tpu.memory_space<vmem>>, vector<1024xf32>
    %broadcast_in_dim3A_320 = vector.shape_cast %get3A_319 : vector<1024xf32> to vector<1x1024xf32>
    %add3A_321 = vector.broadcast %broadcast_in_dim3A_320 : vector<1x1024xf32> to vector<512x1024xf32>
    %add3A_322 = arith.addf %mul3A_317, %add3A_321 : vector<512x1024xf32>
    %swap3A = arith.constant 0 : index
    %swap3A_323 = arith.constant 0 : index
    %swap3A_324 = arith.constant 0 : index
    %swap3A_325 = vector.load %arg12[%swap3A, %swap3A_323, %swap3A_324] : memref<1x512x1024xf32, #tpu.memory_space<vmem>>, vector<1x512x1024xf32>
    %swap3A_326 = vector.shape_cast %swap3A_325 : vector<1x512x1024xf32> to vector<512x1024xf32>
    %swap3A_327 = vector.shape_cast %add3A_322 : vector<512x1024xf32> to vector<1x512x1024xf32>
    tpu.vector_store %arg12[%swap3A, %swap3A_323, %swap3A_324], %swap3A_327 {strides = array<i32>} : memref<1x512x1024xf32, #tpu.memory_space<vmem>>, vector<1x512x1024xf32>,
    return
  }
  func.func @transform_0(%arg0: i32) -> (i32, i32, i32) {
    %c0_i32 = arith.constant 0 : i32
    %c0_i32_0 = arith.constant 0 : i32
    %c0_i32_1 = arith.constant 0 : i32
    return %arg0, %c0_i32, %c0_i32_0 : i32, i32, i32
  }
  func.func @transform_1(%arg0: i32) -> (i32, i32) {
    %c0_i32 = arith.constant 0 : i32
    %c0_i32_0 = arith.constant 0 : i32
    %c0_i32_1 = arith.constant 0 : i32
    return %c0_i32, %c0_i32_0 : i32, i32
  }
  func.func @transform_2(%arg0: i32) -> i32 {
    %c0_i32 = arith.constant 0 : i32
    %c0_i32_0 = arith.constant 0 : i32
    return %c0_i32 : i32
  }
  func.func @transform_3(%arg0: i32) -> (i32, i32) {
    %c0_i32 = arith.constant 0 : i32
    %c0_i32_0 = arith.constant 0 : i32
    %c0_i32_1 = arith.constant 0 : i32
    return %c0_i32, %c0_i32_0 : i32, i32
  }
  func.func @transform_4(%arg0: i32) -> i32 {
    %c0_i32 = arith.constant 0 : i32
    %c0_i32_0 = arith.constant 0 : i32
    return %c0_i32 : i32
  }
  func.func @transform_5(%arg0: i32) -> (i32, i32) {
    %c0_i32 = arith.constant 0 : i32
    %c0_i32_0 = arith.constant 0 : i32
    %c0_i32_1 = arith.constant 0 : i32
    return %c0_i32, %c0_i32_0 : i32, i32
  }
  func.func @transform_6(%arg0: i32) -> i32 {
    %c0_i32 = arith.constant 0 : i32
    %c0_i32_0 = arith.constant 0 : i32
    return %c0_i32 : i32
  }
  func.func @transform_7(%arg0: i32) -> (i32, i32) {
    %c0_i32 = arith.constant 0 : i32
    %c0_i32_0 = arith.constant 0 : i32
    %c0_i32_1 = arith.constant 0 : i32
    return %c0_i32, %c0_i32_0 : i32, i32
  }
  func.func @transform_8(%arg0: i32) -> i32 {
    %c0_i32 = arith.constant 0 : i32
    %c0_i32_0 = arith.constant 0 : i32
    return %c0_i32 : i32
  }
  func.func @transform_9(%arg0: i32) -> i32 {
    %c0_i32 = arith.constant 0 : i32
    %c0_i32_0 = arith.constant 0 : i32
    return %c0_i32 : i32
  }
  func.func @transform_10(%arg0: i32) -> i32 {
    %c0_i32 = arith.constant 0 : i32
    %c0_i32_0 = arith.constant 0 : i32
    return %c0_i32 : i32
  }
  func.func @transform_11(%arg0: i32) -> (i32, i32, i32) {
    %c0_i32 = arith.constant 0 : i32
    %c0_i32_0 = arith.constant 0 : i32
    %c0_i32_1 = arith.constant 0 : i32
    return %arg0, %c0_i32, %c0_i32_0 : i32, i32, i32
  }
}

module attributes {stable_mosaic.version = 14 : i64} {
  func.func @_route_select_body(%arg0: i32, %arg1: memref<2x512x1024xf32, #tpu.memory_space<vmem>>, %arg2: memref<1x1024xf32, #tpu.memory_space<vmem>>, %arg3: memref<1xf32, #tpu.memory_space<smem>>, %arg4: memref<2x512x1xi32, #tpu.memory_space<vmem>>, %arg5: memref<2x512x1xi32, #tpu.memory_space<vmem>>, %arg6: memref<2x8x512xf32, #tpu.memory_space<vmem>>) attributes {dimension_semantics = [#tpu.dimension_semantics<arbitrary>], iteration_bounds = array<i64: 8>, scalar_prefetch = 0 : i64, scratch_operands = 1 : i64, tpu.core_type = #tpu.core_type<tc>, window_params = [{transform_indices = @transform_0, window_bounds = array<i64: 2, 512, 1024>}, {pipeline_mode = #tpu.pipeline_mode<synchronous>, transform_indices = @transform_1, window_bounds = array<i64: 1, 1024>}, {transform_indices = @transform_2, window_bounds = array<i64: 1>}, {pipeline_mode = #tpu.pipeline_mode<synchronous>, transform_indices = @transform_3, window_bounds = array<i64: 2, 512, 1>}, {pipeline_mode = #tpu.pipeline_mode<synchronous>, transform_indices = @transform_4, window_bounds = array<i64: 2, 512, 1>}]} {
    %get3A = arith.constant 0 : index
    %get3A_0 = arith.constant 0 : index
    %get3A_1 = vector.load %arg2[%get3A, %get3A_0] : memref<1x1024xf32, #tpu.memory_space<vmem>>, vector<1x1024xf32>
    %get3A_2 = arith.constant 0 : index
    %get3A_3 = arith.constant 0 : index
    %get3A_4 = arith.constant 0 : index
    %get3A_5 = vector.load %arg1[%get3A_2, %get3A_3, %get3A_4] : memref<2x512x1024xf32, #tpu.memory_space<vmem>>, vector<1x512x1024xf32>
    %get3A_6 = vector.shape_cast %get3A_5 : vector<1x512x1024xf32> to vector<512x1024xf32>
    %dot_general3A = arith.constant dense<0.000000e+00> : vector<1x512xf32>
    %dot_general3A_7 = tpu.matmul %get3A_1, %get3A_6, %dot_general3A {dimension_numbers = #tpu.dot_dimension_numbers<[1], [1], [0], [0], [0, 0, 1, 0], [], []>, transpose_lhs_hint = false} : vector<1x1024xf32>, vector<512x1024xf32>, vector<1x512xf32> -> vector<1x512xf32>
    %squeeze3A = vector.shape_cast %dot_general3A_7 : vector<1x512xf32> to vector<512xf32>
    %get3A_8 = arith.constant 0 : index
    %get3A_9 = memref.load %arg3[%get3A_8] : memref<1xf32, #tpu.memory_space<smem>>
    %add3A = vector.broadcast %get3A_9 : f32 to vector<512xf32>
    %add3A_10 = arith.addf %squeeze3A, %add3A : vector<512xf32>
    %swap3A = arith.constant 0 : index
    %swap3A_11 = arith.index_cast %arg0 : i32 to index
    %swap3A_12 = arith.constant 0 : index
    %swap3A_13 = vector.load %arg6[%swap3A, %swap3A_11, %swap3A_12] : memref<2x8x512xf32, #tpu.memory_space<vmem>>, vector<1x1x512xf32>
    %swap3A_14 = vector.shape_cast %swap3A_13 : vector<1x1x512xf32> to vector<512xf32>
    %swap3A_15 = vector.shape_cast %add3A_10 : vector<512xf32> to vector<1x1x512xf32>
    tpu.vector_store %arg6[%swap3A, %swap3A_11, %swap3A_12], %swap3A_15 {strides = array<i32>} : memref<2x8x512xf32, #tpu.memory_space<vmem>>, vector<1x1x512xf32>,
    %get3A_16 = arith.constant 0 : index
    %get3A_17 = arith.constant 0 : index
    %get3A_18 = vector.load %arg2[%get3A_16, %get3A_17] : memref<1x1024xf32, #tpu.memory_space<vmem>>, vector<1x1024xf32>
    %get3A_19 = arith.constant 1 : index
    %get3A_20 = arith.constant 0 : index
    %get3A_21 = arith.constant 0 : index
    %get3A_22 = vector.load %arg1[%get3A_19, %get3A_20, %get3A_21] : memref<2x512x1024xf32, #tpu.memory_space<vmem>>, vector<1x512x1024xf32>
    %get3A_23 = vector.shape_cast %get3A_22 : vector<1x512x1024xf32> to vector<512x1024xf32>
    %dot_general3A_24 = arith.constant dense<0.000000e+00> : vector<1x512xf32>
    %dot_general3A_25 = tpu.matmul %get3A_18, %get3A_23, %dot_general3A_24 {dimension_numbers = #tpu.dot_dimension_numbers<[1], [1], [0], [0], [0, 0, 1, 0], [], []>, transpose_lhs_hint = false} : vector<1x1024xf32>, vector<512x1024xf32>, vector<1x512xf32> -> vector<1x512xf32>
    %squeeze3A_26 = vector.shape_cast %dot_general3A_25 : vector<1x512xf32> to vector<512xf32>
    %get3A_27 = arith.constant 0 : index
    %get3A_28 = memref.load %arg3[%get3A_27] : memref<1xf32, #tpu.memory_space<smem>>
    %add3A_29 = vector.broadcast %get3A_28 : f32 to vector<512xf32>
    %add3A_30 = arith.addf %squeeze3A_26, %add3A_29 : vector<512xf32>
    %swap3A_31 = arith.constant 1 : index
    %swap3A_32 = arith.index_cast %arg0 : i32 to index
    %swap3A_33 = arith.constant 0 : index
    %swap3A_34 = vector.load %arg6[%swap3A_31, %swap3A_32, %swap3A_33] : memref<2x8x512xf32, #tpu.memory_space<vmem>>, vector<1x1x512xf32>
    %swap3A_35 = vector.shape_cast %swap3A_34 : vector<1x1x512xf32> to vector<512xf32>
    %swap3A_36 = vector.shape_cast %add3A_30 : vector<512xf32> to vector<1x1x512xf32>
    tpu.vector_store %arg6[%swap3A_31, %swap3A_32, %swap3A_33], %swap3A_36 {strides = array<i32>} : memref<2x8x512xf32, #tpu.memory_space<vmem>>, vector<1x1x512xf32>,
    %eq3A = arith.constant 7 : i32
    %eq3A_37 = arith.cmpi eq, %arg0, %eq3A : i32
    %convert_element_type3A = arith.extui %eq3A_37 : i1 to i32
    %cond3A = arith.constant 0 : i32
    %cond3A_38 = arith.cmpi ne, %convert_element_type3A, %cond3A : i32
    scf.if %cond3A_38 {
      %iota3A = tpu.iota {dimensions = array<i32: 0>} : vector<512x512xi32>
      %iota3A_39 = tpu.iota {dimensions = array<i32: 1>} : vector<512x512xi32>
      %le3A = arith.cmpi sle, %iota3A, %iota3A_39 : vector<512x512xi32>
      %convert_element_type3A_40 = arith.extui %le3A : vector<512x512xi1> to vector<512x512xi32>
      %convert_element_type3A_41 = arith.sitofp %convert_element_type3A_40 : vector<512x512xi32> to vector<512x512xf32>
      %iota3A_42 = tpu.iota {dimensions = array<i32: 0>} : vector<8x8xi32>
      %iota3A_43 = tpu.iota {dimensions = array<i32: 1>} : vector<8x8xi32>
      %gt3A = arith.cmpi sgt, %iota3A_42, %iota3A_43 : vector<8x8xi32>
      %convert_element_type3A_44 = arith.extui %gt3A : vector<8x8xi1> to vector<8x8xi32>
      %convert_element_type3A_45 = arith.sitofp %convert_element_type3A_44 : vector<8x8xi32> to vector<8x8xf32>
      %get3A_46 = arith.constant 0 : index
      %get3A_47 = arith.constant 0 : index
      %get3A_48 = arith.constant 0 : index
      %get3A_49 = vector.load %arg6[%get3A_46, %get3A_47, %get3A_48] : memref<2x8x512xf32, #tpu.memory_space<vmem>>, vector<1x8x512xf32>
      %get3A_50 = vector.shape_cast %get3A_49 : vector<1x8x512xf32> to vector<8x512xf32>
      %bitcast_convert_type3A = tpu.bitcast %get3A_50 : vector<8x512xf32> -> vector<8x512xi32>
      %ge3A = arith.constant 0 : i32
      %ge3A_51 = vector.broadcast %ge3A : i32 to vector<8x512xi32>
      %ge3A_52 = arith.cmpi sge, %bitcast_convert_type3A, %ge3A_51 : vector<8x512xi32>
      %xor3A = arith.constant 2147483647 : i32
      %xor3A_53 = vector.broadcast %xor3A : i32 to vector<8x512xi32>
      %xor3A_54 = arith.xori %bitcast_convert_type3A, %xor3A_53 : vector<8x512xi32>
      %select_n3A = arith.select %ge3A_52, %bitcast_convert_type3A, %xor3A_54 : vector<8x512xi1>, vector<8x512xi32>
      %sub3A = arith.constant -2147483647 : i32
      %sub3A_55 = arith.constant 1 : i32
      %sub3A_56 = arith.subi %sub3A, %sub3A_55 : i32
      %scan3A = arith.constant 2147483647 : i32
      %scan3A_57 = arith.constant 0 : i32
      %scan3A_58 = arith.constant 32 : i32
      %scan3A_59 = arith.addi %scan3A_57, %scan3A_58 : i32
      %scan3A_60 = arith.constant 1 : i32
      %scan3A_61:2 = scf.for %scan3A_341 = %scan3A_57 to %scan3A_59 step %scan3A_60 iter_args(%scan3A_342 = %sub3A_56, %scan3A_343 = %scan3A) -> (i32, i32)  : i32 {
        %shift_right_arithmetic3A = arith.constant 1 : i32
        %shift_right_arithmetic3A_344 = arith.shrsi %scan3A_342, %shift_right_arithmetic3A : i32
        %shift_right_arithmetic3A_345 = arith.constant 1 : i32
        %shift_right_arithmetic3A_346 = arith.shrsi %scan3A_343, %shift_right_arithmetic3A_345 : i32
        %add3A_347 = arith.addi %shift_right_arithmetic3A_344, %shift_right_arithmetic3A_346 : i32
        %and3A_348 = arith.andi %scan3A_342, %scan3A_343 : i32
        %and3A_349 = arith.constant 1 : i32
        %and3A_350 = arith.andi %and3A_348, %and3A_349 : i32
        %add3A_351 = arith.addi %add3A_347, %and3A_350 : i32
        %gt3A_352 = vector.broadcast %add3A_351 : i32 to vector<8x512xi32>
        %gt3A_353 = arith.cmpi sgt, %select_n3A, %gt3A_352 : vector<8x512xi32>
        %convert_element_type3A_354 = arith.extui %gt3A_353 : vector<8x512xi1> to vector<8x512xi32>
        %reduce_sum3A_355 = vector.shape_cast %convert_element_type3A_354 : vector<8x512xi32> to vector<1x8x512xi32>
        %reduce_sum3A_356 = arith.constant dense<0> : vector<1xi32>
        %reduce_sum3A_357 = vector.multi_reduction <add>, %reduce_sum3A_355, %reduce_sum3A_356 [1, 2] : vector<1x8x512xi32> to vector<1xi32>
        %reduce_sum3A_358 = vector.shape_cast %reduce_sum3A_357 : vector<1xi32> to vector<1x1x1xi32>
        %reduce_sum3A_359 = vector.extract %reduce_sum3A_358[0, 0, 0] : i32 from vector<1x1x1xi32>
        %lt3A = arith.constant 512 : i32
        %lt3A_360 = arith.cmpi slt, %reduce_sum3A_359, %lt3A : i32
        %select_n3A_361 = arith.select %lt3A_360, %scan3A_342, %add3A_351 : i32
        %select_n3A_362 = arith.select %lt3A_360, %add3A_351, %scan3A_343 : i32
        scf.yield %select_n3A_361, %select_n3A_362 : i32, i32
      }
      %gt3A_62 = vector.broadcast %scan3A_61#1 : i32 to vector<8x512xi32>
      %gt3A_63 = arith.cmpi sgt, %select_n3A, %gt3A_62 : vector<8x512xi32>
      %eq3A_64 = vector.broadcast %scan3A_61#1 : i32 to vector<8x512xi32>
      %eq3A_65 = arith.cmpi eq, %select_n3A, %eq3A_64 : vector<8x512xi32>
      %convert_element_type3A_66 = arith.extui %gt3A_63 : vector<8x512xi1> to vector<8x512xi32>
      %reduce_sum3A = vector.shape_cast %convert_element_type3A_66 : vector<8x512xi32> to vector<1x8x512xi32>
      %reduce_sum3A_67 = arith.constant dense<0> : vector<1xi32>
      %reduce_sum3A_68 = vector.multi_reduction <add>, %reduce_sum3A, %reduce_sum3A_67 [1, 2] : vector<1x8x512xi32> to vector<1xi32>
      %reduce_sum3A_69 = vector.shape_cast %reduce_sum3A_68 : vector<1xi32> to vector<1x1x1xi32>
      %reduce_sum3A_70 = vector.extract %reduce_sum3A_69[0, 0, 0] : i32 from vector<1x1x1xi32>
      %sub3A_71 = arith.constant 512 : i32
      %sub3A_72 = arith.subi %sub3A_71, %reduce_sum3A_70 : i32
      %convert_element_type3A_73 = arith.sitofp %sub3A_72 : i32 to f32
      %convert_element_type3A_74 = arith.extui %eq3A_65 : vector<8x512xi1> to vector<8x512xi32>
      %convert_element_type3A_75 = arith.sitofp %convert_element_type3A_74 : vector<8x512xi32> to vector<8x512xf32>
      %dot_general3A_76 = arith.constant dense<0.000000e+00> : vector<8x512xf32>
      %dot_general3A_77 = tpu.matmul %convert_element_type3A_75, %convert_element_type3A_41, %dot_general3A_76 {dimension_numbers = #tpu.dot_dimension_numbers<[1], [0], [0], [1], [0, 0, 1, 1], [], []>, transpose_lhs_hint = false} : vector<8x512xf32>, vector<512x512xf32>, vector<8x512xf32> -> vector<8x512xf32>
      %reduce_sum3A_78 = arith.constant dense<0.000000e+00> : vector<8xf32>
      %reduce_sum3A_79 = vector.multi_reduction <add>, %convert_element_type3A_75, %reduce_sum3A_78 [1] : vector<8x512xf32> to vector<8xf32>
      %broadcast_in_dim3A = vector.shape_cast %reduce_sum3A_79 : vector<8xf32> to vector<8x1xf32>
      %dot_general3A_80 = arith.constant dense<0.000000e+00> : vector<8x1xf32>
      %dot_general3A_81 = tpu.matmul %convert_element_type3A_45, %broadcast_in_dim3A, %dot_general3A_80 {dimension_numbers = #tpu.dot_dimension_numbers<[1], [0], [0], [1], [0, 0, 1, 1], [], []>, transpose_lhs_hint = false} : vector<8x8xf32>, vector<8x1xf32>, vector<8x1xf32> -> vector<8x1xf32>
      %add3A_82 = vector.broadcast %dot_general3A_81 : vector<8x1xf32> to vector<8x512xf32>
      %add3A_83 = arith.addf %dot_general3A_77, %add3A_82 : vector<8x512xf32>
      %le3A_84 = vector.broadcast %convert_element_type3A_73 : f32 to vector<8x512xf32>
      %le3A_85 = arith.cmpf ole, %add3A_83, %le3A_84 : vector<8x512xf32>
      %and3A = arith.andi %eq3A_65, %le3A_85 : vector<8x512xi1>
      %or3A = arith.ori %gt3A_63, %and3A : vector<8x512xi1>
      %convert_element_type3A_86 = arith.extui %or3A : vector<8x512xi1> to vector<8x512xi32>
      %convert_element_type3A_87 = arith.sitofp %convert_element_type3A_86 : vector<8x512xi32> to vector<8x512xf32>
      %dot_general3A_88 = arith.constant dense<0.000000e+00> : vector<8x512xf32>
      %dot_general3A_89 = tpu.matmul %convert_element_type3A_87, %convert_element_type3A_41, %dot_general3A_88 {dimension_numbers = #tpu.dot_dimension_numbers<[1], [0], [0], [1], [0, 0, 1, 1], [], []>, transpose_lhs_hint = false} : vector<8x512xf32>, vector<512x512xf32>, vector<8x512xf32> -> vector<8x512xf32>
      %reduce_sum3A_90 = arith.constant dense<0.000000e+00> : vector<8xf32>
      %reduce_sum3A_91 = vector.multi_reduction <add>, %convert_element_type3A_87, %reduce_sum3A_90 [1] : vector<8x512xf32> to vector<8xf32>
      %broadcast_in_dim3A_92 = vector.shape_cast %reduce_sum3A_91 : vector<8xf32> to vector<8x1xf32>
      %dot_general3A_93 = arith.constant dense<0.000000e+00> : vector<8x1xf32>
      %dot_general3A_94 = tpu.matmul %convert_element_type3A_45, %broadcast_in_dim3A_92, %dot_general3A_93 {dimension_numbers = #tpu.dot_dimension_numbers<[1], [0], [0], [1], [0, 0, 1, 1], [], []>, transpose_lhs_hint = false} : vector<8x8xf32>, vector<8x1xf32>, vector<8x1xf32> -> vector<8x1xf32>
      %add3A_95 = vector.broadcast %dot_general3A_94 : vector<8x1xf32> to vector<8x512xf32>
      %add3A_96 = arith.addf %dot_general3A_89, %add3A_95 : vector<8x512xf32>
      %convert_element_type3A_97 = arith.fptosi %add3A_96 : vector<8x512xf32> to vector<8x512xi32>
      %iota3A_98 = tpu.iota {dimensions = array<i32: 0>} : vector<512x512xi32>
      %broadcast_in_dim3A_99 = arith.constant 0.000000e+00 : f32
      %broadcast_in_dim3A_100 = vector.broadcast %broadcast_in_dim3A_99 : f32 to vector<512x1xf32>
      %slice3A = vector.extract_strided_slice %convert_element_type3A_97 {offsets = [0, 0], sizes = [1, 512], strides = [1, 1]} : vector<8x512xi32> to vector<1x512xi32>
      %le3A_101 = vector.broadcast %slice3A : vector<1x512xi32> to vector<512x512xi32>
      %le3A_102 = arith.cmpi sle, %le3A_101, %iota3A_98 : vector<512x512xi32>
      %convert_element_type3A_103 = arith.extui %le3A_102 : vector<512x512xi1> to vector<512x512xi32>
      %convert_element_type3A_104 = arith.sitofp %convert_element_type3A_103 : vector<512x512xi32> to vector<512x512xf32>
      %reduce_sum3A_105 = arith.constant dense<0.000000e+00> : vector<512xf32>
      %reduce_sum3A_106 = vector.multi_reduction <add>, %convert_element_type3A_104, %reduce_sum3A_105 [1] : vector<512x512xf32> to vector<512xf32>
      %broadcast_in_dim3A_107 = vector.shape_cast %reduce_sum3A_106 : vector<512xf32> to vector<512x1xf32>
      %add3A_108 = arith.addf %broadcast_in_dim3A_100, %broadcast_in_dim3A_107 : vector<512x1xf32>
      %slice3A_109 = vector.extract_strided_slice %convert_element_type3A_97 {offsets = [1, 0], sizes = [1, 512], strides = [1, 1]} : vector<8x512xi32> to vector<1x512xi32>
      %le3A_110 = vector.broadcast %slice3A_109 : vector<1x512xi32> to vector<512x512xi32>
      %le3A_111 = arith.cmpi sle, %le3A_110, %iota3A_98 : vector<512x512xi32>
      %convert_element_type3A_112 = arith.extui %le3A_111 : vector<512x512xi1> to vector<512x512xi32>
      %convert_element_type3A_113 = arith.sitofp %convert_element_type3A_112 : vector<512x512xi32> to vector<512x512xf32>
      %reduce_sum3A_114 = arith.constant dense<0.000000e+00> : vector<512xf32>
      %reduce_sum3A_115 = vector.multi_reduction <add>, %convert_element_type3A_113, %reduce_sum3A_114 [1] : vector<512x512xf32> to vector<512xf32>
      %broadcast_in_dim3A_116 = vector.shape_cast %reduce_sum3A_115 : vector<512xf32> to vector<512x1xf32>
      %add3A_117 = arith.addf %add3A_108, %broadcast_in_dim3A_116 : vector<512x1xf32>
      %slice3A_118 = vector.extract_strided_slice %convert_element_type3A_97 {offsets = [2, 0], sizes = [1, 512], strides = [1, 1]} : vector<8x512xi32> to vector<1x512xi32>
      %le3A_119 = vector.broadcast %slice3A_118 : vector<1x512xi32> to vector<512x512xi32>
      %le3A_120 = arith.cmpi sle, %le3A_119, %iota3A_98 : vector<512x512xi32>
      %convert_element_type3A_121 = arith.extui %le3A_120 : vector<512x512xi1> to vector<512x512xi32>
      %convert_element_type3A_122 = arith.sitofp %convert_element_type3A_121 : vector<512x512xi32> to vector<512x512xf32>
      %reduce_sum3A_123 = arith.constant dense<0.000000e+00> : vector<512xf32>
      %reduce_sum3A_124 = vector.multi_reduction <add>, %convert_element_type3A_122, %reduce_sum3A_123 [1] : vector<512x512xf32> to vector<512xf32>
      %broadcast_in_dim3A_125 = vector.shape_cast %reduce_sum3A_124 : vector<512xf32> to vector<512x1xf32>
      %add3A_126 = arith.addf %add3A_117, %broadcast_in_dim3A_125 : vector<512x1xf32>
      %slice3A_127 = vector.extract_strided_slice %convert_element_type3A_97 {offsets = [3, 0], sizes = [1, 512], strides = [1, 1]} : vector<8x512xi32> to vector<1x512xi32>
      %le3A_128 = vector.broadcast %slice3A_127 : vector<1x512xi32> to vector<512x512xi32>
      %le3A_129 = arith.cmpi sle, %le3A_128, %iota3A_98 : vector<512x512xi32>
      %convert_element_type3A_130 = arith.extui %le3A_129 : vector<512x512xi1> to vector<512x512xi32>
      %convert_element_type3A_131 = arith.sitofp %convert_element_type3A_130 : vector<512x512xi32> to vector<512x512xf32>
      %reduce_sum3A_132 = arith.constant dense<0.000000e+00> : vector<512xf32>
      %reduce_sum3A_133 = vector.multi_reduction <add>, %convert_element_type3A_131, %reduce_sum3A_132 [1] : vector<512x512xf32> to vector<512xf32>
      %broadcast_in_dim3A_134 = vector.shape_cast %reduce_sum3A_133 : vector<512xf32> to vector<512x1xf32>
      %add3A_135 = arith.addf %add3A_126, %broadcast_in_dim3A_134 : vector<512x1xf32>
      %slice3A_136 = vector.extract_strided_slice %convert_element_type3A_97 {offsets = [4, 0], sizes = [1, 512], strides = [1, 1]} : vector<8x512xi32> to vector<1x512xi32>
      %le3A_137 = vector.broadcast %slice3A_136 : vector<1x512xi32> to vector<512x512xi32>
      %le3A_138 = arith.cmpi sle, %le3A_137, %iota3A_98 : vector<512x512xi32>
      %convert_element_type3A_139 = arith.extui %le3A_138 : vector<512x512xi1> to vector<512x512xi32>
      %convert_element_type3A_140 = arith.sitofp %convert_element_type3A_139 : vector<512x512xi32> to vector<512x512xf32>
      %reduce_sum3A_141 = arith.constant dense<0.000000e+00> : vector<512xf32>
      %reduce_sum3A_142 = vector.multi_reduction <add>, %convert_element_type3A_140, %reduce_sum3A_141 [1] : vector<512x512xf32> to vector<512xf32>
      %broadcast_in_dim3A_143 = vector.shape_cast %reduce_sum3A_142 : vector<512xf32> to vector<512x1xf32>
      %add3A_144 = arith.addf %add3A_135, %broadcast_in_dim3A_143 : vector<512x1xf32>
      %slice3A_145 = vector.extract_strided_slice %convert_element_type3A_97 {offsets = [5, 0], sizes = [1, 512], strides = [1, 1]} : vector<8x512xi32> to vector<1x512xi32>
      %le3A_146 = vector.broadcast %slice3A_145 : vector<1x512xi32> to vector<512x512xi32>
      %le3A_147 = arith.cmpi sle, %le3A_146, %iota3A_98 : vector<512x512xi32>
      %convert_element_type3A_148 = arith.extui %le3A_147 : vector<512x512xi1> to vector<512x512xi32>
      %convert_element_type3A_149 = arith.sitofp %convert_element_type3A_148 : vector<512x512xi32> to vector<512x512xf32>
      %reduce_sum3A_150 = arith.constant dense<0.000000e+00> : vector<512xf32>
      %reduce_sum3A_151 = vector.multi_reduction <add>, %convert_element_type3A_149, %reduce_sum3A_150 [1] : vector<512x512xf32> to vector<512xf32>
      %broadcast_in_dim3A_152 = vector.shape_cast %reduce_sum3A_151 : vector<512xf32> to vector<512x1xf32>
      %add3A_153 = arith.addf %add3A_144, %broadcast_in_dim3A_152 : vector<512x1xf32>
      %slice3A_154 = vector.extract_strided_slice %convert_element_type3A_97 {offsets = [6, 0], sizes = [1, 512], strides = [1, 1]} : vector<8x512xi32> to vector<1x512xi32>
      %le3A_155 = vector.broadcast %slice3A_154 : vector<1x512xi32> to vector<512x512xi32>
      %le3A_156 = arith.cmpi sle, %le3A_155, %iota3A_98 : vector<512x512xi32>
      %convert_element_type3A_157 = arith.extui %le3A_156 : vector<512x512xi1> to vector<512x512xi32>
      %convert_element_type3A_158 = arith.sitofp %convert_element_type3A_157 : vector<512x512xi32> to vector<512x512xf32>
      %reduce_sum3A_159 = arith.constant dense<0.000000e+00> : vector<512xf32>
      %reduce_sum3A_160 = vector.multi_reduction <add>, %convert_element_type3A_158, %reduce_sum3A_159 [1] : vector<512x512xf32> to vector<512xf32>
      %broadcast_in_dim3A_161 = vector.shape_cast %reduce_sum3A_160 : vector<512xf32> to vector<512x1xf32>
      %add3A_162 = arith.addf %add3A_153, %broadcast_in_dim3A_161 : vector<512x1xf32>
      %slice3A_163 = vector.extract_strided_slice %convert_element_type3A_97 {offsets = [7, 0], sizes = [1, 512], strides = [1, 1]} : vector<8x512xi32> to vector<1x512xi32>
      %le3A_164 = vector.broadcast %slice3A_163 : vector<1x512xi32> to vector<512x512xi32>
      %le3A_165 = arith.cmpi sle, %le3A_164, %iota3A_98 : vector<512x512xi32>
      %convert_element_type3A_166 = arith.extui %le3A_165 : vector<512x512xi1> to vector<512x512xi32>
      %convert_element_type3A_167 = arith.sitofp %convert_element_type3A_166 : vector<512x512xi32> to vector<512x512xf32>
      %reduce_sum3A_168 = arith.constant dense<0.000000e+00> : vector<512xf32>
      %reduce_sum3A_169 = vector.multi_reduction <add>, %convert_element_type3A_167, %reduce_sum3A_168 [1] : vector<512x512xf32> to vector<512xf32>
      %broadcast_in_dim3A_170 = vector.shape_cast %reduce_sum3A_169 : vector<512xf32> to vector<512x1xf32>
      %add3A_171 = arith.addf %add3A_162, %broadcast_in_dim3A_170 : vector<512x1xf32>
      %convert_element_type3A_172 = arith.fptosi %add3A_171 : vector<512x1xf32> to vector<512x1xi32>
      %swap3A_173 = arith.constant 0 : index
      %swap3A_174 = arith.constant 0 : index
      %swap3A_175 = arith.constant 0 : index
      %swap3A_176 = vector.load %arg4[%swap3A_173, %swap3A_174, %swap3A_175] : memref<2x512x1xi32, #tpu.memory_space<vmem>>, vector<1x512x1xi32>
      %swap3A_177 = vector.shape_cast %swap3A_176 : vector<1x512x1xi32> to vector<512x1xi32>
      %swap3A_178 = vector.shape_cast %convert_element_type3A_172 : vector<512x1xi32> to vector<1x512x1xi32>
      tpu.vector_store %arg4[%swap3A_173, %swap3A_174, %swap3A_175], %swap3A_178 {strides = array<i32>} : memref<2x512x1xi32, #tpu.memory_space<vmem>>, vector<1x512x1xi32>,
      %add3A_179 = arith.constant 0 : i32
      %add3A_180 = vector.broadcast %add3A_179 : i32 to vector<512x1xi32>
      %add3A_181 = arith.addi %convert_element_type3A_172, %add3A_180 : vector<512x1xi32>
      %swap3A_182 = arith.constant 0 : index
      %swap3A_183 = arith.constant 0 : index
      %swap3A_184 = arith.constant 0 : index
      %swap3A_185 = vector.load %arg5[%swap3A_182, %swap3A_183, %swap3A_184] : memref<2x512x1xi32, #tpu.memory_space<vmem>>, vector<1x512x1xi32>
      %swap3A_186 = vector.shape_cast %swap3A_185 : vector<1x512x1xi32> to vector<512x1xi32>
      %swap3A_187 = vector.shape_cast %add3A_181 : vector<512x1xi32> to vector<1x512x1xi32>
      tpu.vector_store %arg5[%swap3A_182, %swap3A_183, %swap3A_184], %swap3A_187 {strides = array<i32>} : memref<2x512x1xi32, #tpu.memory_space<vmem>>, vector<1x512x1xi32>,
      %get3A_188 = arith.constant 1 : index
      %get3A_189 = arith.constant 0 : index
      %get3A_190 = arith.constant 0 : index
      %get3A_191 = vector.load %arg6[%get3A_188, %get3A_189, %get3A_190] : memref<2x8x512xf32, #tpu.memory_space<vmem>>, vector<1x8x512xf32>
      %get3A_192 = vector.shape_cast %get3A_191 : vector<1x8x512xf32> to vector<8x512xf32>
      %bitcast_convert_type3A_193 = tpu.bitcast %get3A_192 : vector<8x512xf32> -> vector<8x512xi32>
      %ge3A_194 = arith.constant 0 : i32
      %ge3A_195 = vector.broadcast %ge3A_194 : i32 to vector<8x512xi32>
      %ge3A_196 = arith.cmpi sge, %bitcast_convert_type3A_193, %ge3A_195 : vector<8x512xi32>
      %xor3A_197 = arith.constant 2147483647 : i32
      %xor3A_198 = vector.broadcast %xor3A_197 : i32 to vector<8x512xi32>
      %xor3A_199 = arith.xori %bitcast_convert_type3A_193, %xor3A_198 : vector<8x512xi32>
      %select_n3A_200 = arith.select %ge3A_196, %bitcast_convert_type3A_193, %xor3A_199 : vector<8x512xi1>, vector<8x512xi32>
      %sub3A_201 = arith.constant -2147483647 : i32
      %sub3A_202 = arith.constant 1 : i32
      %sub3A_203 = arith.subi %sub3A_201, %sub3A_202 : i32
      %scan3A_204 = arith.constant 2147483647 : i32
      %scan3A_205 = arith.constant 0 : i32
      %scan3A_206 = arith.constant 32 : i32
      %scan3A_207 = arith.addi %scan3A_205, %scan3A_206 : i32
      %scan3A_208 = arith.constant 1 : i32
      %scan3A_209:2 = scf.for %scan3A_341 = %scan3A_205 to %scan3A_207 step %scan3A_208 iter_args(%scan3A_342 = %sub3A_203, %scan3A_343 = %scan3A_204) -> (i32, i32)  : i32 {
        %shift_right_arithmetic3A = arith.constant 1 : i32
        %shift_right_arithmetic3A_344 = arith.shrsi %scan3A_342, %shift_right_arithmetic3A : i32
        %shift_right_arithmetic3A_345 = arith.constant 1 : i32
        %shift_right_arithmetic3A_346 = arith.shrsi %scan3A_343, %shift_right_arithmetic3A_345 : i32
        %add3A_347 = arith.addi %shift_right_arithmetic3A_344, %shift_right_arithmetic3A_346 : i32
        %and3A_348 = arith.andi %scan3A_342, %scan3A_343 : i32
        %and3A_349 = arith.constant 1 : i32
        %and3A_350 = arith.andi %and3A_348, %and3A_349 : i32
        %add3A_351 = arith.addi %add3A_347, %and3A_350 : i32
        %gt3A_352 = vector.broadcast %add3A_351 : i32 to vector<8x512xi32>
        %gt3A_353 = arith.cmpi sgt, %select_n3A_200, %gt3A_352 : vector<8x512xi32>
        %convert_element_type3A_354 = arith.extui %gt3A_353 : vector<8x512xi1> to vector<8x512xi32>
        %reduce_sum3A_355 = vector.shape_cast %convert_element_type3A_354 : vector<8x512xi32> to vector<1x8x512xi32>
        %reduce_sum3A_356 = arith.constant dense<0> : vector<1xi32>
        %reduce_sum3A_357 = vector.multi_reduction <add>, %reduce_sum3A_355, %reduce_sum3A_356 [1, 2] : vector<1x8x512xi32> to vector<1xi32>
        %reduce_sum3A_358 = vector.shape_cast %reduce_sum3A_357 : vector<1xi32> to vector<1x1x1xi32>
        %reduce_sum3A_359 = vector.extract %reduce_sum3A_358[0, 0, 0] : i32 from vector<1x1x1xi32>
        %lt3A = arith.constant 512 : i32
        %lt3A_360 = arith.cmpi slt, %reduce_sum3A_359, %lt3A : i32
        %select_n3A_361 = arith.select %lt3A_360, %scan3A_342, %add3A_351 : i32
        %select_n3A_362 = arith.select %lt3A_360, %add3A_351, %scan3A_343 : i32
        scf.yield %select_n3A_361, %select_n3A_362 : i32, i32
      }
      %gt3A_210 = vector.broadcast %scan3A_209#1 : i32 to vector<8x512xi32>
      %gt3A_211 = arith.cmpi sgt, %select_n3A_200, %gt3A_210 : vector<8x512xi32>
      %eq3A_212 = vector.broadcast %scan3A_209#1 : i32 to vector<8x512xi32>
      %eq3A_213 = arith.cmpi eq, %select_n3A_200, %eq3A_212 : vector<8x512xi32>
      %convert_element_type3A_214 = arith.extui %gt3A_211 : vector<8x512xi1> to vector<8x512xi32>
      %reduce_sum3A_215 = vector.shape_cast %convert_element_type3A_214 : vector<8x512xi32> to vector<1x8x512xi32>
      %reduce_sum3A_216 = arith.constant dense<0> : vector<1xi32>
      %reduce_sum3A_217 = vector.multi_reduction <add>, %reduce_sum3A_215, %reduce_sum3A_216 [1, 2] : vector<1x8x512xi32> to vector<1xi32>
      %reduce_sum3A_218 = vector.shape_cast %reduce_sum3A_217 : vector<1xi32> to vector<1x1x1xi32>
      %reduce_sum3A_219 = vector.extract %reduce_sum3A_218[0, 0, 0] : i32 from vector<1x1x1xi32>
      %sub3A_220 = arith.constant 512 : i32
      %sub3A_221 = arith.subi %sub3A_220, %reduce_sum3A_219 : i32
      %convert_element_type3A_222 = arith.sitofp %sub3A_221 : i32 to f32
      %convert_element_type3A_223 = arith.extui %eq3A_213 : vector<8x512xi1> to vector<8x512xi32>
      %convert_element_type3A_224 = arith.sitofp %convert_element_type3A_223 : vector<8x512xi32> to vector<8x512xf32>
      %dot_general3A_225 = arith.constant dense<0.000000e+00> : vector<8x512xf32>
      %dot_general3A_226 = tpu.matmul %convert_element_type3A_224, %convert_element_type3A_41, %dot_general3A_225 {dimension_numbers = #tpu.dot_dimension_numbers<[1], [0], [0], [1], [0, 0, 1, 1], [], []>, transpose_lhs_hint = false} : vector<8x512xf32>, vector<512x512xf32>, vector<8x512xf32> -> vector<8x512xf32>
      %reduce_sum3A_227 = arith.constant dense<0.000000e+00> : vector<8xf32>
      %reduce_sum3A_228 = vector.multi_reduction <add>, %convert_element_type3A_224, %reduce_sum3A_227 [1] : vector<8x512xf32> to vector<8xf32>
      %broadcast_in_dim3A_229 = vector.shape_cast %reduce_sum3A_228 : vector<8xf32> to vector<8x1xf32>
      %dot_general3A_230 = arith.constant dense<0.000000e+00> : vector<8x1xf32>
      %dot_general3A_231 = tpu.matmul %convert_element_type3A_45, %broadcast_in_dim3A_229, %dot_general3A_230 {dimension_numbers = #tpu.dot_dimension_numbers<[1], [0], [0], [1], [0, 0, 1, 1], [], []>, transpose_lhs_hint = false} : vector<8x8xf32>, vector<8x1xf32>, vector<8x1xf32> -> vector<8x1xf32>
      %add3A_232 = vector.broadcast %dot_general3A_231 : vector<8x1xf32> to vector<8x512xf32>
      %add3A_233 = arith.addf %dot_general3A_226, %add3A_232 : vector<8x512xf32>
      %le3A_234 = vector.broadcast %convert_element_type3A_222 : f32 to vector<8x512xf32>
      %le3A_235 = arith.cmpf ole, %add3A_233, %le3A_234 : vector<8x512xf32>
      %and3A_236 = arith.andi %eq3A_213, %le3A_235 : vector<8x512xi1>
      %or3A_237 = arith.ori %gt3A_211, %and3A_236 : vector<8x512xi1>
      %convert_element_type3A_238 = arith.extui %or3A_237 : vector<8x512xi1> to vector<8x512xi32>
      %convert_element_type3A_239 = arith.sitofp %convert_element_type3A_238 : vector<8x512xi32> to vector<8x512xf32>
      %dot_general3A_240 = arith.constant dense<0.000000e+00> : vector<8x512xf32>
      %dot_general3A_241 = tpu.matmul %convert_element_type3A_239, %convert_element_type3A_41, %dot_general3A_240 {dimension_numbers = #tpu.dot_dimension_numbers<[1], [0], [0], [1], [0, 0, 1, 1], [], []>, transpose_lhs_hint = false} : vector<8x512xf32>, vector<512x512xf32>, vector<8x512xf32> -> vector<8x512xf32>
      %reduce_sum3A_242 = arith.constant dense<0.000000e+00> : vector<8xf32>
      %reduce_sum3A_243 = vector.multi_reduction <add>, %convert_element_type3A_239, %reduce_sum3A_242 [1] : vector<8x512xf32> to vector<8xf32>
      %broadcast_in_dim3A_244 = vector.shape_cast %reduce_sum3A_243 : vector<8xf32> to vector<8x1xf32>
      %dot_general3A_245 = arith.constant dense<0.000000e+00> : vector<8x1xf32>
      %dot_general3A_246 = tpu.matmul %convert_element_type3A_45, %broadcast_in_dim3A_244, %dot_general3A_245 {dimension_numbers = #tpu.dot_dimension_numbers<[1], [0], [0], [1], [0, 0, 1, 1], [], []>, transpose_lhs_hint = false} : vector<8x8xf32>, vector<8x1xf32>, vector<8x1xf32> -> vector<8x1xf32>
      %add3A_247 = vector.broadcast %dot_general3A_246 : vector<8x1xf32> to vector<8x512xf32>
      %add3A_248 = arith.addf %dot_general3A_241, %add3A_247 : vector<8x512xf32>
      %convert_element_type3A_249 = arith.fptosi %add3A_248 : vector<8x512xf32> to vector<8x512xi32>
      %iota3A_250 = tpu.iota {dimensions = array<i32: 0>} : vector<512x512xi32>
      %broadcast_in_dim3A_251 = arith.constant 0.000000e+00 : f32
      %broadcast_in_dim3A_252 = vector.broadcast %broadcast_in_dim3A_251 : f32 to vector<512x1xf32>
      %slice3A_253 = vector.extract_strided_slice %convert_element_type3A_249 {offsets = [0, 0], sizes = [1, 512], strides = [1, 1]} : vector<8x512xi32> to vector<1x512xi32>
      %le3A_254 = vector.broadcast %slice3A_253 : vector<1x512xi32> to vector<512x512xi32>
      %le3A_255 = arith.cmpi sle, %le3A_254, %iota3A_250 : vector<512x512xi32>
      %convert_element_type3A_256 = arith.extui %le3A_255 : vector<512x512xi1> to vector<512x512xi32>
      %convert_element_type3A_257 = arith.sitofp %convert_element_type3A_256 : vector<512x512xi32> to vector<512x512xf32>
      %reduce_sum3A_258 = arith.constant dense<0.000000e+00> : vector<512xf32>
      %reduce_sum3A_259 = vector.multi_reduction <add>, %convert_element_type3A_257, %reduce_sum3A_258 [1] : vector<512x512xf32> to vector<512xf32>
      %broadcast_in_dim3A_260 = vector.shape_cast %reduce_sum3A_259 : vector<512xf32> to vector<512x1xf32>
      %add3A_261 = arith.addf %broadcast_in_dim3A_252, %broadcast_in_dim3A_260 : vector<512x1xf32>
      %slice3A_262 = vector.extract_strided_slice %convert_element_type3A_249 {offsets = [1, 0], sizes = [1, 512], strides = [1, 1]} : vector<8x512xi32> to vector<1x512xi32>
      %le3A_263 = vector.broadcast %slice3A_262 : vector<1x512xi32> to vector<512x512xi32>
      %le3A_264 = arith.cmpi sle, %le3A_263, %iota3A_250 : vector<512x512xi32>
      %convert_element_type3A_265 = arith.extui %le3A_264 : vector<512x512xi1> to vector<512x512xi32>
      %convert_element_type3A_266 = arith.sitofp %convert_element_type3A_265 : vector<512x512xi32> to vector<512x512xf32>
      %reduce_sum3A_267 = arith.constant dense<0.000000e+00> : vector<512xf32>
      %reduce_sum3A_268 = vector.multi_reduction <add>, %convert_element_type3A_266, %reduce_sum3A_267 [1] : vector<512x512xf32> to vector<512xf32>
      %broadcast_in_dim3A_269 = vector.shape_cast %reduce_sum3A_268 : vector<512xf32> to vector<512x1xf32>
      %add3A_270 = arith.addf %add3A_261, %broadcast_in_dim3A_269 : vector<512x1xf32>
      %slice3A_271 = vector.extract_strided_slice %convert_element_type3A_249 {offsets = [2, 0], sizes = [1, 512], strides = [1, 1]} : vector<8x512xi32> to vector<1x512xi32>
      %le3A_272 = vector.broadcast %slice3A_271 : vector<1x512xi32> to vector<512x512xi32>
      %le3A_273 = arith.cmpi sle, %le3A_272, %iota3A_250 : vector<512x512xi32>
      %convert_element_type3A_274 = arith.extui %le3A_273 : vector<512x512xi1> to vector<512x512xi32>
      %convert_element_type3A_275 = arith.sitofp %convert_element_type3A_274 : vector<512x512xi32> to vector<512x512xf32>
      %reduce_sum3A_276 = arith.constant dense<0.000000e+00> : vector<512xf32>
      %reduce_sum3A_277 = vector.multi_reduction <add>, %convert_element_type3A_275, %reduce_sum3A_276 [1] : vector<512x512xf32> to vector<512xf32>
      %broadcast_in_dim3A_278 = vector.shape_cast %reduce_sum3A_277 : vector<512xf32> to vector<512x1xf32>
      %add3A_279 = arith.addf %add3A_270, %broadcast_in_dim3A_278 : vector<512x1xf32>
      %slice3A_280 = vector.extract_strided_slice %convert_element_type3A_249 {offsets = [3, 0], sizes = [1, 512], strides = [1, 1]} : vector<8x512xi32> to vector<1x512xi32>
      %le3A_281 = vector.broadcast %slice3A_280 : vector<1x512xi32> to vector<512x512xi32>
      %le3A_282 = arith.cmpi sle, %le3A_281, %iota3A_250 : vector<512x512xi32>
      %convert_element_type3A_283 = arith.extui %le3A_282 : vector<512x512xi1> to vector<512x512xi32>
      %convert_element_type3A_284 = arith.sitofp %convert_element_type3A_283 : vector<512x512xi32> to vector<512x512xf32>
      %reduce_sum3A_285 = arith.constant dense<0.000000e+00> : vector<512xf32>
      %reduce_sum3A_286 = vector.multi_reduction <add>, %convert_element_type3A_284, %reduce_sum3A_285 [1] : vector<512x512xf32> to vector<512xf32>
      %broadcast_in_dim3A_287 = vector.shape_cast %reduce_sum3A_286 : vector<512xf32> to vector<512x1xf32>
      %add3A_288 = arith.addf %add3A_279, %broadcast_in_dim3A_287 : vector<512x1xf32>
      %slice3A_289 = vector.extract_strided_slice %convert_element_type3A_249 {offsets = [4, 0], sizes = [1, 512], strides = [1, 1]} : vector<8x512xi32> to vector<1x512xi32>
      %le3A_290 = vector.broadcast %slice3A_289 : vector<1x512xi32> to vector<512x512xi32>
      %le3A_291 = arith.cmpi sle, %le3A_290, %iota3A_250 : vector<512x512xi32>
      %convert_element_type3A_292 = arith.extui %le3A_291 : vector<512x512xi1> to vector<512x512xi32>
      %convert_element_type3A_293 = arith.sitofp %convert_element_type3A_292 : vector<512x512xi32> to vector<512x512xf32>
      %reduce_sum3A_294 = arith.constant dense<0.000000e+00> : vector<512xf32>
      %reduce_sum3A_295 = vector.multi_reduction <add>, %convert_element_type3A_293, %reduce_sum3A_294 [1] : vector<512x512xf32> to vector<512xf32>
      %broadcast_in_dim3A_296 = vector.shape_cast %reduce_sum3A_295 : vector<512xf32> to vector<512x1xf32>
      %add3A_297 = arith.addf %add3A_288, %broadcast_in_dim3A_296 : vector<512x1xf32>
      %slice3A_298 = vector.extract_strided_slice %convert_element_type3A_249 {offsets = [5, 0], sizes = [1, 512], strides = [1, 1]} : vector<8x512xi32> to vector<1x512xi32>
      %le3A_299 = vector.broadcast %slice3A_298 : vector<1x512xi32> to vector<512x512xi32>
      %le3A_300 = arith.cmpi sle, %le3A_299, %iota3A_250 : vector<512x512xi32>
      %convert_element_type3A_301 = arith.extui %le3A_300 : vector<512x512xi1> to vector<512x512xi32>
      %convert_element_type3A_302 = arith.sitofp %convert_element_type3A_301 : vector<512x512xi32> to vector<512x512xf32>
      %reduce_sum3A_303 = arith.constant dense<0.000000e+00> : vector<512xf32>
      %reduce_sum3A_304 = vector.multi_reduction <add>, %convert_element_type3A_302, %reduce_sum3A_303 [1] : vector<512x512xf32> to vector<512xf32>
      %broadcast_in_dim3A_305 = vector.shape_cast %reduce_sum3A_304 : vector<512xf32> to vector<512x1xf32>
      %add3A_306 = arith.addf %add3A_297, %broadcast_in_dim3A_305 : vector<512x1xf32>
      %slice3A_307 = vector.extract_strided_slice %convert_element_type3A_249 {offsets = [6, 0], sizes = [1, 512], strides = [1, 1]} : vector<8x512xi32> to vector<1x512xi32>
      %le3A_308 = vector.broadcast %slice3A_307 : vector<1x512xi32> to vector<512x512xi32>
      %le3A_309 = arith.cmpi sle, %le3A_308, %iota3A_250 : vector<512x512xi32>
      %convert_element_type3A_310 = arith.extui %le3A_309 : vector<512x512xi1> to vector<512x512xi32>
      %convert_element_type3A_311 = arith.sitofp %convert_element_type3A_310 : vector<512x512xi32> to vector<512x512xf32>
      %reduce_sum3A_312 = arith.constant dense<0.000000e+00> : vector<512xf32>
      %reduce_sum3A_313 = vector.multi_reduction <add>, %convert_element_type3A_311, %reduce_sum3A_312 [1] : vector<512x512xf32> to vector<512xf32>
      %broadcast_in_dim3A_314 = vector.shape_cast %reduce_sum3A_313 : vector<512xf32> to vector<512x1xf32>
      %add3A_315 = arith.addf %add3A_306, %broadcast_in_dim3A_314 : vector<512x1xf32>
      %slice3A_316 = vector.extract_strided_slice %convert_element_type3A_249 {offsets = [7, 0], sizes = [1, 512], strides = [1, 1]} : vector<8x512xi32> to vector<1x512xi32>
      %le3A_317 = vector.broadcast %slice3A_316 : vector<1x512xi32> to vector<512x512xi32>
      %le3A_318 = arith.cmpi sle, %le3A_317, %iota3A_250 : vector<512x512xi32>
      %convert_element_type3A_319 = arith.extui %le3A_318 : vector<512x512xi1> to vector<512x512xi32>
      %convert_element_type3A_320 = arith.sitofp %convert_element_type3A_319 : vector<512x512xi32> to vector<512x512xf32>
      %reduce_sum3A_321 = arith.constant dense<0.000000e+00> : vector<512xf32>
      %reduce_sum3A_322 = vector.multi_reduction <add>, %convert_element_type3A_320, %reduce_sum3A_321 [1] : vector<512x512xf32> to vector<512xf32>
      %broadcast_in_dim3A_323 = vector.shape_cast %reduce_sum3A_322 : vector<512xf32> to vector<512x1xf32>
      %add3A_324 = arith.addf %add3A_315, %broadcast_in_dim3A_323 : vector<512x1xf32>
      %convert_element_type3A_325 = arith.fptosi %add3A_324 : vector<512x1xf32> to vector<512x1xi32>
      %swap3A_326 = arith.constant 1 : index
      %swap3A_327 = arith.constant 0 : index
      %swap3A_328 = arith.constant 0 : index
      %swap3A_329 = vector.load %arg4[%swap3A_326, %swap3A_327, %swap3A_328] : memref<2x512x1xi32, #tpu.memory_space<vmem>>, vector<1x512x1xi32>
      %swap3A_330 = vector.shape_cast %swap3A_329 : vector<1x512x1xi32> to vector<512x1xi32>
      %swap3A_331 = vector.shape_cast %convert_element_type3A_325 : vector<512x1xi32> to vector<1x512x1xi32>
      tpu.vector_store %arg4[%swap3A_326, %swap3A_327, %swap3A_328], %swap3A_331 {strides = array<i32>} : memref<2x512x1xi32, #tpu.memory_space<vmem>>, vector<1x512x1xi32>,
      %add3A_332 = arith.constant 4096 : i32
      %add3A_333 = vector.broadcast %add3A_332 : i32 to vector<512x1xi32>
      %add3A_334 = arith.addi %convert_element_type3A_325, %add3A_333 : vector<512x1xi32>
      %swap3A_335 = arith.constant 1 : index
      %swap3A_336 = arith.constant 0 : index
      %swap3A_337 = arith.constant 0 : index
      %swap3A_338 = vector.load %arg5[%swap3A_335, %swap3A_336, %swap3A_337] : memref<2x512x1xi32, #tpu.memory_space<vmem>>, vector<1x512x1xi32>
      %swap3A_339 = vector.shape_cast %swap3A_338 : vector<1x512x1xi32> to vector<512x1xi32>
      %swap3A_340 = vector.shape_cast %add3A_334 : vector<512x1xi32> to vector<1x512x1xi32>
      tpu.vector_store %arg5[%swap3A_335, %swap3A_336, %swap3A_337], %swap3A_340 {strides = array<i32>} : memref<2x512x1xi32, #tpu.memory_space<vmem>>, vector<1x512x1xi32>,
    } else {
    }
    return
  }
  func.func @transform_0(%arg0: i32) -> (i32, i32, i32) {
    %c0_i32 = arith.constant 0 : i32
    %c0_i32_0 = arith.constant 0 : i32
    %c0_i32_1 = arith.constant 0 : i32
    return %c0_i32, %arg0, %c0_i32_0 : i32, i32, i32
  }
  func.func @transform_1(%arg0: i32) -> (i32, i32) {
    %c0_i32 = arith.constant 0 : i32
    %c0_i32_0 = arith.constant 0 : i32
    %c0_i32_1 = arith.constant 0 : i32
    return %c0_i32, %c0_i32_0 : i32, i32
  }
  func.func @transform_2(%arg0: i32) -> i32 {
    %c0_i32 = arith.constant 0 : i32
    %c0_i32_0 = arith.constant 0 : i32
    return %c0_i32 : i32
  }
  func.func @transform_3(%arg0: i32) -> (i32, i32, i32) {
    %c0_i32 = arith.constant 0 : i32
    %c0_i32_0 = arith.constant 0 : i32
    %c0_i32_1 = arith.constant 0 : i32
    %c0_i32_2 = arith.constant 0 : i32
    return %c0_i32, %c0_i32_0, %c0_i32_1 : i32, i32, i32
  }
  func.func @transform_4(%arg0: i32) -> (i32, i32, i32) {
    %c0_i32 = arith.constant 0 : i32
    %c0_i32_0 = arith.constant 0 : i32
    %c0_i32_1 = arith.constant 0 : i32
    %c0_i32_2 = arith.constant 0 : i32
    return %c0_i32, %c0_i32_0, %c0_i32_1 : i32, i32, i32
  }
}

module attributes {stable_mosaic.version = 14 : i64} {
  func.func @_merge_body(%arg0: i32, %arg1: i32, %arg2: memref<1x1024x1024xf32, #tpu.memory_space<vmem>>, %arg3: memref<1x512x1024xf32, #tpu.memory_space<vmem>>, %arg4: memref<1x1x512xi32, #tpu.memory_space<vmem>>, %arg5: memref<1x1024x1024xf32, #tpu.memory_space<vmem>>) attributes {dimension_semantics = [#tpu.dimension_semantics<arbitrary>, #tpu.dimension_semantics<arbitrary>], iteration_bounds = array<i64: 2, 4>, scalar_prefetch = 0 : i64, scratch_operands = 0 : i64, tpu.core_type = #tpu.core_type<tc>, window_params = [{transform_indices = @transform_0, window_bounds = array<i64: 1, 1024, 1024>}, {transform_indices = @transform_1, window_bounds = array<i64: 1, 512, 1024>}, {transform_indices = @transform_2, window_bounds = array<i64: 1, 1, 512>}, {transform_indices = @transform_3, window_bounds = array<i64: 1, 1024, 1024>}]} {
    %get3A = arith.constant 0 : index
    %get3A_0 = arith.constant 0 : index
    %get3A_1 = arith.constant 0 : index
    %get3A_2 = vector.load %arg4[%get3A, %get3A_0, %get3A_1] : memref<1x1x512xi32, #tpu.memory_space<vmem>>, vector<1x1x512xi32>
    %get3A_3 = vector.shape_cast %get3A_2 : vector<1x1x512xi32> to vector<512xi32>
    %iota3A = tpu.iota {dimensions = array<i32: 0>} : vector<1024x512xi32>
    %mul3A = arith.constant 1024 : i32
    %mul3A_4 = arith.muli %arg1, %mul3A : i32
    %add3A = vector.broadcast %mul3A_4 : i32 to vector<1024x512xi32>
    %add3A_5 = arith.addi %iota3A, %add3A : vector<1024x512xi32>
    %broadcast_in_dim3A = vector.shape_cast %get3A_3 : vector<512xi32> to vector<1x512xi32>
    %eq3A = vector.broadcast %broadcast_in_dim3A : vector<1x512xi32> to vector<1024x512xi32>
    %eq3A_6 = arith.cmpi eq, %eq3A, %add3A_5 : vector<1024x512xi32>
    %convert_element_type3A = arith.extui %eq3A_6 : vector<1024x512xi1> to vector<1024x512xi32>
    %convert_element_type3A_7 = arith.sitofp %convert_element_type3A : vector<1024x512xi32> to vector<1024x512xf32>
    %get3A_8 = arith.constant 0 : index
    %get3A_9 = arith.constant 0 : index
    %get3A_10 = arith.constant 0 : index
    %get3A_11 = vector.load %arg2[%get3A_8, %get3A_9, %get3A_10] : memref<1x1024x1024xf32, #tpu.memory_space<vmem>>, vector<1x1024x1024xf32>
    %get3A_12 = vector.shape_cast %get3A_11 : vector<1x1024x1024xf32> to vector<1024x1024xf32>
    %get3A_13 = arith.constant 0 : index
    %get3A_14 = arith.constant 0 : index
    %get3A_15 = arith.constant 0 : index
    %get3A_16 = vector.load %arg3[%get3A_13, %get3A_14, %get3A_15] : memref<1x512x1024xf32, #tpu.memory_space<vmem>>, vector<1x512x1024xf32>
    %get3A_17 = vector.shape_cast %get3A_16 : vector<1x512x1024xf32> to vector<512x1024xf32>
    %dot_general3A = arith.constant dense<0.000000e+00> : vector<1024x1024xf32>
    %dot_general3A_18 = tpu.matmul %convert_element_type3A_7, %get3A_17, %dot_general3A {dimension_numbers = #tpu.dot_dimension_numbers<[1], [0], [0], [1], [0, 0, 1, 1], [], []>, transpose_lhs_hint = false} : vector<1024x512xf32>, vector<512x1024xf32>, vector<1024x1024xf32> -> vector<1024x1024xf32>
    %add3A_19 = arith.addf %get3A_12, %dot_general3A_18 : vector<1024x1024xf32>
    %swap3A = arith.constant 0 : index
    %swap3A_20 = arith.constant 0 : index
    %swap3A_21 = arith.constant 0 : index
    %swap3A_22 = vector.load %arg5[%swap3A, %swap3A_20, %swap3A_21] : memref<1x1024x1024xf32, #tpu.memory_space<vmem>>, vector<1x1024x1024xf32>
    %swap3A_23 = vector.shape_cast %swap3A_22 : vector<1x1024x1024xf32> to vector<1024x1024xf32>
    %swap3A_24 = vector.shape_cast %add3A_19 : vector<1024x1024xf32> to vector<1x1024x1024xf32>
    tpu.vector_store %arg5[%swap3A, %swap3A_20, %swap3A_21], %swap3A_24 {strides = array<i32>} : memref<1x1024x1024xf32, #tpu.memory_space<vmem>>, vector<1x1024x1024xf32>,
    return
  }
  func.func @transform_0(%arg0: i32, %arg1: i32) -> (i32, i32, i32) {
    %c0_i32 = arith.constant 0 : i32
    %c0_i32_0 = arith.constant 0 : i32
    return %arg0, %arg1, %c0_i32 : i32, i32, i32
  }
  func.func @transform_1(%arg0: i32, %arg1: i32) -> (i32, i32, i32) {
    %c0_i32 = arith.constant 0 : i32
    %c0_i32_0 = arith.constant 0 : i32
    %c0_i32_1 = arith.constant 0 : i32
    return %arg0, %c0_i32, %c0_i32_0 : i32, i32, i32
  }
  func.func @transform_2(%arg0: i32, %arg1: i32) -> (i32, i32, i32) {
    %c0_i32 = arith.constant 0 : i32
    %c0_i32_0 = arith.constant 0 : i32
    %c0_i32_1 = arith.constant 0 : i32
    return %arg0, %c0_i32, %c0_i32_0 : i32, i32, i32
  }
  func.func @transform_3(%arg0: i32, %arg1: i32) -> (i32, i32, i32) {
    %c0_i32 = arith.constant 0 : i32
    %c0_i32_0 = arith.constant 0 : i32
    return %arg0, %arg1, %c0_i32 : i32, i32, i32
  }
}

</mosaic_0001>

<sc_bundles>
// kernel: kernel.7.cloned.1.call-start
scs
__scs_entry_jumppad:
0x0: {  	(pc) =	sbr.rel $0x88, $3  }
0x1: {  	(tag) =	ssettag $0x0;
	lr =	simm.s32 $0x1  }
0x2: {  	[smem:$0x3F90] =	sst lr;
	_ =	strace $0xD0000000  }
0x3: {  	_ = 	snop  }
0x4: {  	_ = 	snop  }
0x5: {  	_ = 	snop  }
0x6: {  	_ = 	snop  }
0x7: {  	_ = 	snop  }
__scs_overlays_trampoline_lowered:
0x8: {  	[smem:$0x3F9F] =	sst s0  }
0x9: {  	[smem:$0x3FA0] =	sst s1  }
0xa: {  	[smem:$0x3FA1] =	sst s2  }
0xb: {  	[smem:$0x3FA2] =	sst s3  }
0xc: {  	[smem:$0x3FA3] =	sst s4  }
0xd: {  	[smem:$0x3FA4] =	sst s5  }
0xe: {  	[smem:$0x3FA5] =	sst s6  }
0xf: {  	[smem:$0x3FA6] =	sst s7  }
0x10: {  	[smem:$0x3FA7] =	sst s8  }
0x11: {  	[smem:$0x3FA8] =	sst s9;
	s0 =	simm.s32 @!p0 $0x0  }
0x12: {  	s1 =	sld [smem:$0x3F8E];
	s0 =	simm.s32 @p0 $0x1  }
0x13: {  	[smem:$0x3FA9] =	sst s0;
	s0 =	simm.s32 @!p1 $0x0  }
0x14: {  	s2 =	sld [smem:$0x3F8D];
	s0 =	simm.s32 @p1 $0x1  }
0x15: {  	[smem:$0x3FAA] =	sst s0;
	s0 =	simm.s32 @!p2 $0x0  }
0x16: {  	s3 =	sld [smem:$0x3FDB];
	s0 =	simm.s32 @p2 $0x1  }
0x17: {  	s4 =	simm.s32 $0x1BF5;
	[smem:$0x3FAC] =	sst s0  }
0x18: {  	s0 =	sld [smem:$0x3F8F];
	_ =	swait.ge [sflag:s4], $0x0  }
0x19: {  	s7 =	sld [smem:$0x3F90]  }
0x1a: {  	s8 =	sadd.s32 $0xFFFFE003, lr  }
0x1b: {  	s9 =	sadd.s32 $0xFFFFFEF7, lr;
	s5 =	simm.s32 $0xFFFFFFFF;
	p2 =	slt.u32 s8, $0xFFFFF086  }
0x1c: {  	p1 =	slt.u32 s9, $0xF7A;
	s5 =	simm.s32 @!p2 $0x0  }
0x1d: {  	s5 =	simm.s32 @p1 $0x1;
	p0 =	seq.s32 s7, s2  }
0x1e: {  	s7 =	smul.u32 @!p0 $0xF7A, s2;
	p2 =	seq.s32 @!p0 s5, $0x0  }
0x1f: {  	s9 =	smul.u32 $0xF7A, s1;
	s8 =	simm.s32 @!p0 $0x1BF5;
	p2 =	por !p2, p0  }
0x20: {  	[sflag:s8] =	ssyncset.s32 @!p0 $0xFFFFF086;
	s6 =	sadd.s32 @!p0 s3, s7;
	s7 =	simm.s32 @!p0 $0x108  }
0x21: {  	s3 =	sadd.s32 s3, s9;
	s6 =	sadd.s32 @!p0 $0x88, s6;
	s7 =	simm.s32 @p2 $0x1082  }
0x22: {  	[simem:s7], [sflag:s8] =	dma.local @!p0 [hbm:s6], $0xF7A  }
0x23: {  	s9 =	sor.u32 $0xD0000000, s2;
	s6 =	simm.s32 $0x108;
	_ =	swait.ge @!p0 [sflag:s8], $0x0  }
0x24: {  	s3 =	sadd.s32 $0x88, s3;
	s6 =	simm.s32 @!p1 $0x1082;
	[sflag:s4] =	ssyncset.s32 $0xFFFFF086  }
0x25: {  	[simem:s6], [sflag:s4] =	dma.local [hbm:s3], $0xF7A  }
0x26: {  	[smem:$0x3F90] =	sst s1;
	(tag) =	ssettag s2;
	_ =	strace s9  }
0x27: {  	s1 =	sld [smem:$0x3FA0]  }
0x28: {  	s2 =	sld [smem:$0x3FA1]  }
0x29: {  	s4 =	sld [smem:$0x3FA3]  }
0x2a: {  	p0 =	seq.s32 s5, $0x0;
	s5 =	sld [smem:$0x3FA4]  }
0x2b: {  	s6 =	sld [smem:$0x3FA5]  }
0x2c: {  	s7 =	sld [smem:$0x3FA6]  }
0x2d: {  	s3 =	simm.s32 $0x108;
	s8 =	sld [smem:$0x3FA7]  }
0x2e: {  	s3 =	simm.s32 @!p0 $0x1082;
	s9 =	sld [smem:$0x3FA8]  }
0x2f: {  	lr =	sadd.s32 s0, s3;
	s0 =	sld [smem:$0x3F9F]  }
0x30: {  	s3 =	sld [smem:$0x3FA2]  }
0x31: {  	[smem:$0x3FAB] =	sst s10  }
0x32: {  	s10 =	sld [smem:$0x3FA9];
	_ =	sdelay $0x3  }
0x33: {  	p0 =	seq.s32 s10, $0x1;
	s10 =	sld [smem:$0x3FAB];
	_ =	sdelay $0x3  }
0x34: {  	[smem:$0x3FAB] =	sst s10  }
0x35: {  	s10 =	sld [smem:$0x3FAA];
	_ =	sdelay $0x3  }
0x36: {  	p1 =	seq.s32 s10, $0x1;
	s10 =	sld [smem:$0x3FAB];
	_ =	sdelay $0x3  }
0x37: {  	[smem:$0x3FAB] =	sst s10  }
0x38: {  	s10 =	sld [smem:$0x3FAC]  }
0x39: {  	_ = 	snop;
	(pc) =	sbr.ind lr, $3  }
0x3a: {  	_ = 	snop  }
0x3b: {  	_ = 	snop  }
0x3c: {  	p2 =	seq.s32 s10, $0x1;
	s10 =	sld [smem:$0x3FAB]  }
0x3d: {  	_ =	shalt  }
0x3e: {  	_ =	shalt  }
0x3f: {  	_ =	shalt  }
0x40: {  	_ =	shalt  }
0x41: {  	_ =	shalt  }
0x42: {  	_ =	shalt  }
0x43: {  	_ =	shalt  }
0x44: {  	_ =	shalt  }
0x45: {  	_ =	shalt  }
0x46: {  	_ =	shalt  }
0x47: {  	_ =	shalt  }
0x48: {  	_ =	shalt  }
0x49: {  	_ =	shalt  }
0x4a: {  	_ =	shalt  }
0x4b: {  	_ =	shalt  }
0x4c: {  	_ =	shalt  }
0x4d: {  	_ =	shalt  }
0x4e: {  	_ =	shalt  }
0x4f: {  	_ =	shalt  }
0x50: {  	_ =	shalt  }
0x51: {  	_ =	shalt  }
0x52: {  	_ =	shalt  }
0x53: {  	_ =	shalt  }
0x54: {  	_ =	shalt  }
0x55: {  	_ =	shalt  }
0x56: {  	_ =	shalt  }
0x57: {  	_ =	shalt  }
0x58: {  	_ =	shalt  }
0x59: {  	_ =	shalt  }
0x5a: {  	_ =	shalt  }
0x5b: {  	_ =	shalt  }
0x5c: {  	_ =	shalt  }
0x5d: {  	_ =	shalt  }
0x5e: {  	_ =	shalt  }
0x5f: {  	_ =	shalt  }
0x60: {  	_ =	shalt  }
0x61: {  	_ =	shalt  }
0x62: {  	_ =	shalt  }
0x63: {  	_ =	shalt  }
0x64: {  	_ =	shalt  }
0x65: {  	_ =	shalt  }
0x66: {  	_ =	shalt  }
0x67: {  	_ =	shalt  }
0x68: {  	_ =	shalt  }
0x69: {  	_ =	shalt  }
0x6a: {  	_ =	shalt  }
0x6b: {  	_ =	shalt  }
0x6c: {  	_ =	shalt  }
0x6d: {  	_ =	shalt  }
0x6e: {  	_ =	shalt  }
0x6f: {  	_ =	shalt  }
0x70: {  	_ =	shalt  }
0x71: {  	_ =	shalt  }
0x72: {  	_ =	shalt  }
0x73: {  	_ =	shalt  }
0x74: {  	_ =	shalt  }
0x75: {  	_ =	shalt  }
0x76: {  	_ =	shalt  }
0x77: {  	_ =	shalt  }
0x78: {  	_ =	shalt  }
0x79: {  	_ =	shalt  }
0x7a: {  	_ =	shalt  }
0x7b: {  	_ =	shalt  }
0x7c: {  	_ =	shalt  }
0x7d: {  	_ =	shalt  }
0x7e: {  	_ =	shalt  }
0x7f: {  	_ =	shalt  }
0x80: {  	_ =	shalt  }
0x81: {  	_ =	shalt  }
0x82: {  	_ =	shalt  }
0x83: {  	_ =	shalt  }
0x84: {  	_ =	shalt  }
0x85: {  	_ =	shalt  }
0x86: {  	_ =	shalt  }
0x87: {  	_ =	shalt  }
.Lfunc_end0:
.L_simem_size_0:
called_computation_lowered:
.L_overlay_start_0:
0x88: {  	s2 =	sld [smem:$0x3FD9]  }
0x89: {  	s3 =	sld [smem:$0x3FFE];
	_ =	sdelay $0x1  }
0x8a: {  	s1 =	srdreg.scid  }
0x8b: {  	s0 =	sand.u32 $0x1, s1  }
0x8c: {  	s17 =	sshll.u32 s0, $0xA;
	s2 =	sadd.s32 s3, s2  }
0x8d: {  	s2 =	sadd.s32 s2, s17  }
0x8e: {  	[smem:$0x3FB7] =	sst s2  }
0x8f: {  	_ = 	snop  }
0x90: {  	s2 =	sld [smem:$0x3FC9];
	(tm) =	ssettm $0x1  }
0x91: {  	s18 =	sld [smem:$0x3FFB];
	_ =	sdelay $0x3  }
0x92: {  	_ =	strace s18  }
0x93: {  	s3 =	sld [smem:$0x3FFC];
	_ =	sdelay $0x3  }
0x94: {  	_ =	strace s3  }
0x95: {  	s3 =	sld [smem:$0x3FFD];
	_ =	sdelay $0x3  }
0x96: {  	_ =	strace s3  }
0x97: {  	_ =	strace $0x8FFFFFFF  }
0x98: {  	s19 =	sld [smem:$0x3FDB];
	_ =	sdelay $0x1  }
0x99: {  	s4 =	simm.s32 $_scs_section_size  }
0x9a: {  	s5 =	simm.s32 $_size__tile_overlayer_lowered;
	s6 =	simm.s32 $_tile_overlayer_lowered  }
0x9b: {  	s22 =	simm.s32 $0x1BFF;
	s21 =	sshll.u32 s6, $0x1;
	s3 =	sadd.s32 s4, s19  }
0x9c: {  	s7 =	simm.s32 $0x0;
	s20 =	sshll.u32 s5, $0x1;
	s5 =	sadd.s32 s21, s3  }
0x9d: {  	[timem:s7], [sflag:s22] =	dma.local [hbm:s5], s20  }
0x9e: {  	_ =	swait.ge [sflag:s22], s20  }
0x9f: {  	s4 =	ssub.s32 $0x0, s20;
	[sflag:s22] =	ssyncset.done $0x0  }
0xa0: {  	[sflag:s22] =	ssyncadd.s32 s4;
	_ =	sdelay $0x1  }
0xa1: {  	s23 =	simm.s32 $0x1B8B  }
0xa2: {  	_ =	swait.ge [sflag:s23], $0x1  }
0xa3: {  	[sflag:s23] =	ssyncset.done $0x0  }
0xa4: {  	s25 =	simm.s32 $0x1B8E;
	s24 =	sld [smem:$0x3FFE];
	[sflag:s23] =	ssyncadd.s32 $0xFFFFFFFF  }
0xa5: {  	s26 =	simm.s32 $execute0_lowered;
	[smem:$0x3FD2] =	sst s25  }
0xa6: {  	s5 =	sshll.u32 s26, $0x1;
	_ =	strace $0x80000046;
	[dreg:$0x1] =	wrdreg $0xFFFFFFFF  }
0xa7: {  	s28 =	simm.s32 $_size_execute0_lowered;
	s3 =	sadd.s32 s3, s5;
	[dreg:$0x0] =	wrdreg $0x0  }
0xa8: {  	s5 =	sshll.u32 s28, $0x1;
	[dreg:$0x2] =	wrdreg s3  }
0xa9: {  	[dreg:$0x3] =	wrdreg s5  }
0xaa: {  	[dreg:$0x4] =	wrdreg $0xC0  }
0xab: {  	_ =	task [dreg:s7], $0x5FFFF  }
0xac: {  	[dreg:$0x1] =	wrdreg $0xFFFFFFFF  }
0xad: {  	[dreg:$0x0] =	wrdreg $0x60  }
0xae: {  	[dreg:$0x2] =	wrdreg s2  }
0xaf: {  	[dreg:$0x3] =	wrdreg s24  }
0xb0: {  	[dreg:$0x4] =	wrdreg $0x9  }
0xb1: {  	_ =	task.clear_ibuf [dreg:s7], $0x5FFFF;
	_ =	strace $0x90000046  }
0xb2: {  	s29 =	simm.s32 $0x9;
	_ =	strace $0x80000048  }
0xb3: {  	_ =	swait.ge [sflag:s29], $0x1  }
0xb4: {  	[sflag:s29] =	ssyncadd.s32 $0xFFFFFFFF  }
0xb5: {  	_ =	strace $0x90000048  }
0xb6: {  	_ =	sfence  }
0xb7: {  	s30 =	sld [smem:$0x0];
	_ =	sdelay $0x2  }
0xb8: {  	s31 =	sshll.u32 s1, $0xD;
	s1 =	sshrl.u32 s1, $0x2  }
0xb9: {  	s3 =	sand.u32 $0x4000, s31;
	s1 =	sadd.s32 s1, s30  }
0xba: {  	s0 =	sor.u32 s3, s0;
	s1 =	sshll.u32 s1, $0x11  }
0xbb: {  	s0 =	sor.u32 s1, s0  }
0xbc: {  	s0 =	sadd.s32 $0x8F2B, s0  }
0xbd: {  	[sflag:s0] =	ssyncadd.remote.s32 $0x1  }
0xbe: {  	_ =	sfence.sel $0xFFFF  }
0xbf: {  	[dreg:$0x0] =	wrdreg $0xFFFFFFFF;
	(pc) =	sbr.abs _section_cstart, $3  }
0xc0: {  	[dreg:$0x1] =	wrdreg $0xFFFFFFFF  }
0xc1: {  	_ =	task.clear_ibuf [dreg:s7], $0x2FFFF;
	_ =	strace $0x9FFFFFFF  }
0xc2: {  	(tm) =	ssettm $0x7FFFFFFF  }
0xc3: {  	_ =	shalt  }
tec
execute0_lowered:
.L_overlay_start_1:
0x0: {  	(tag) =	ssettag $0x1  }
0x1: {  	s2 =	rddreg [dreg:$0x0]  }
0x2: {  	s4 =	rddreg [dreg:$0x1];
	s3 =	srdreg.scid  }
0x3: {  	s0 =	rddreg [dreg:$0x2];
	s1 =	stileid.u32;
	s11 =	simm.s32 $0x80  }
0x4: {  	s12 =	simm.s32 $0x880;
	s13 =	simm.s32 $0x1080;
	s14 =	simm.s32 $0x1880  }
0x5: {  	s15 =	simm.s32 $0x2080;
	s16 =	simm.s32 $0x2880;
	s17 =	simm.s32 $0x3080  }
0x6: {  	s18 =	simm.s32 $0x3880;
	s19 =	simm.s32 $0x4080;
	s20 =	simm.s32 $0x4880  }
0x7: {  	s21 =	simm.s32 $0x5080;
	s22 =	simm.s32 $0x5880;
	s23 =	simm.s32 $0x6080  }
0x8: {  	s24 =	simm.s32 $0x6880;
	s25 =	simm.s32 $0x7080;
	s26 =	simm.s32 $0x7880  }
0x9: {  	s28 =	simm.s32 $0x1;
	s5 =	sand.u32 $0x1, s3;
	s3 =	simm.s32 $0x0  }
0xa: {  	s6 =	sshll.u32 s1, $0x6;
	s7 =	sshll.u32 s5, $0x5;
	s5 =	ssub.s32 $0x2, s5  }
0xb: {  	[smem:$0x7FF] =	sst s3;
	s6 =	sor.u32 s7, s6;
	s8 =	sshrl.u32 s5, $0x1  }
0xc: {  	_ =	strace $0x80000047;
	s7 =	sshll.u32 s6, $0x7;
	s10 =	ssub.s32 s5, s8  }
0xd: {  	v2 =	vlaneseq.u32;
	s31 =	sshrl.u32 s6, $0x3;
	s5 =	sadd.s32 $0x100, s2;
	s6 =	sadd.s32 $0x200, s2  }
0xe: {  	vm0 =	vmmov $0xffff;
	v1 =	vshrl.u32 v2, $0x3;
	s9 =	sadd.s32 s7, s4;
	s4 =	sadd.s32 s4, s31;
	s7 =	sadd.s32 $0x300, s2  }
0xf: {  	v0 =	vand.u32 $0x7, v2;
	v2 =	vor.u32 $0x8, v2;
	v1 =	vmul.u32 $0x8, v1;
	s8 =	sadd.s32 $0x200, s9;
	s9 =	smax.u32 s10, $0x1;
	s10 =	simm.s32 $0x2  }
.LBB2_1:
0x10: {  	[tilespmem:s3], [sflag:$0x2] =	stream.linear.gather [hbm4b:s4+s3], $0x20, $0x38;
	[tilespmem:$0x8080] =	vst v63  }
0x11: {  	_ =	swait.ge [sflag:s10], $0x20  }
0x12: {  	[sflag:s10] =	ssyncset.done $0x0  }
0x13: {  	[sflag:s10] =	ssyncadd.s32 $0xFFFFFFE0  }
0x14: {  	v3 =	vld [tilespmem:$0x0];
	_ =	sdelay $0x4  }
0x15: {  	v4 =	vshll.u32 v3, $0x3  }
0x16: {  	v3 =	vand.u32 $0x7, v3;
	v4 =	vand.u32 $0xFFFFFFC0, v4  }
0x17: {  	v3 =	vor.u32 v3, v4  }
0x18: {  	v4 =	vperm.xlane v3, v0;
	_ =	sdelay $0x1  }
0x19: {  	v4 =	vadd.s32 v1, v4;
	_ =	sdelay $0x4  }
0x1a: {  	[tilespmem:s11], [sflag:$0x1] =	stream.indirect_vreg.gather [hbm4b:s2+s3], $0x80, v4, vm0, $0xb8;
	[tilespmem:$0x8080] =	vst v63  }
0x1b: {  	v3 =	vperm.xlane v3, v2  }
0x1c: {  	[tilespmem:s12], [sflag:$0x1] =	stream.indirect_vreg.gather [hbm4b:s5+s3], $0x80, v4, vm0, $0xb8;
	[tilespmem:$0x8080] =	vst v63  }
0x1d: {  	v3 =	vadd.s32 v1, v3  }
0x1e: {  	[tilespmem:s13], [sflag:$0x1] =	stream.indirect_vreg.gather [hbm4b:s6+s3], $0x80, v4, vm0, $0xb8;
	[tilespmem:$0x8080] =	vst v63  }
0x1f: {  	_ = 	snop  }
0x20: {  	[tilespmem:s14], [sflag:$0x1] =	stream.indirect_vreg.gather [hbm4b:s7+s3], $0x80, v4, vm0, $0xb8;
	[tilespmem:$0x8080] =	vst v63  }
0x21: {  	_ = 	snop  }
0x22: {  	[tilespmem:s15], [sflag:$0x1] =	stream.indirect_vreg.gather [hbm4b:s2+s3], $0x80, v3, vm0, $0xb8;
	[tilespmem:$0x8080] =	vst v63  }
0x23: {  	_ = 	snop  }
0x24: {  	[tilespmem:s16], [sflag:$0x1] =	stream.indirect_vreg.gather [hbm4b:s5+s3], $0x80, v3, vm0, $0xb8;
	[tilespmem:$0x8080] =	vst v63  }
0x25: {  	_ = 	snop  }
0x26: {  	[tilespmem:s17], [sflag:$0x1] =	stream.indirect_vreg.gather [hbm4b:s6+s3], $0x80, v3, vm0, $0xb8;
	[tilespmem:$0x8080] =	vst v63  }
0x27: {  	_ = 	snop  }
0x28: {  	[tilespmem:s18], [sflag:$0x1] =	stream.indirect_vreg.gather [hbm4b:s7+s3], $0x80, v3, vm0, $0xb8;
	[tilespmem:$0x8080] =	vst v63  }
0x29: {  	v3 =	vld [tilespmem:$0x10];
	_ =	sdelay $0x4  }
0x2a: {  	v63 =	vshll.u32 v3, $0x3  }
0x2b: {  	v3 =	vand.u32 $0x7, v3;
	v4 =	vand.u32 $0xFFFFFFC0, v63  }
0x2c: {  	v3 =	vor.u32 v3, v4  }
0x2d: {  	v4 =	vperm.xlane v3, v0;
	_ =	sdelay $0x1  }
0x2e: {  	v4 =	vadd.s32 v1, v4;
	_ =	sdelay $0x4  }
0x2f: {  	[tilespmem:s19], [sflag:$0x1] =	stream.indirect_vreg.gather [hbm4b:s2+s3], $0x80, v4, vm0, $0xb8;
	[tilespmem:$0x8080] =	vst v63  }
0x30: {  	v3 =	vperm.xlane v3, v2  }
0x31: {  	[tilespmem:s20], [sflag:$0x1] =	stream.indirect_vreg.gather [hbm4b:s5+s3], $0x80, v4, vm0, $0xb8;
	[tilespmem:$0x8080] =	vst v63  }
0x32: {  	v3 =	vadd.s32 v1, v3  }
0x33: {  	[tilespmem:s21], [sflag:$0x1] =	stream.indirect_vreg.gather [hbm4b:s6+s3], $0x80, v4, vm0, $0xb8;
	[tilespmem:$0x8080] =	vst v63  }
0x34: {  	_ = 	snop  }
0x35: {  	[tilespmem:s22], [sflag:$0x1] =	stream.indirect_vreg.gather [hbm4b:s7+s3], $0x80, v4, vm0, $0xb8;
	[tilespmem:$0x8080] =	vst v63  }
0x36: {  	_ = 	snop  }
0x37: {  	[tilespmem:s23], [sflag:$0x1] =	stream.indirect_vreg.gather [hbm4b:s2+s3], $0x80, v3, vm0, $0xb8;
	[tilespmem:$0x8080] =	vst v63  }
0x38: {  	_ = 	snop  }
0x39: {  	[tilespmem:s24], [sflag:$0x1] =	stream.indirect_vreg.gather [hbm4b:s5+s3], $0x80, v3, vm0, $0xb8;
	[tilespmem:$0x8080] =	vst v63  }
0x3a: {  	_ = 	snop  }
0x3b: {  	[tilespmem:s25], [sflag:$0x1] =	stream.indirect_vreg.gather [hbm4b:s6+s3], $0x80, v3, vm0, $0xb8;
	[tilespmem:$0x8080] =	vst v63  }
0x3c: {  	_ = 	snop  }
0x3d: {  	[tilespmem:s26], [sflag:$0x1] =	stream.indirect_vreg.gather [hbm4b:s7+s3], $0x80, v3, vm0, $0xb8;
	[tilespmem:$0x8080] =	vst v63  }
0x3e: {  	_ =	swait.ge [sflag:s28], $0x8000  }
0x3f: {  	p0 =	sne.s32 s9, $0x1;
	[sflag:s28] =	ssyncset.done $0x0  }
.Ltmp0:
0x40: {  	[sflag:s28] =	ssyncadd.s32 $0xFFFF8000;
	(pc) =	sbr.rel @p0 .LBB2_1-.Ltmp0, $4  }
0x41: {  	[hbm4b:s8+s3] =	stream.linear.scatter [tilespmem:s11], [sflag:$0x2], $0x8000, $0x38;
	[tilespmem:$0x8080] =	vst v63  }
0x42: {  	_ =	swait.ge [sflag:s10], $0x8000  }
0x43: {  	[sflag:s10] =	ssyncset.done $0x0  }
0x44: {  	s9 =	sadd.s32 $0xFFFFFFFF, s9;
	[sflag:s10] =	ssyncadd.s32 $0xFFFF8000  }
0x45: {  	_ =	sfence.sel $0x180000  }
0x46: {  	[bflag:$0x0] =	sbarrier.arrive $0xFFFF  }
0x47: {  	p0 =	sne.s32 s1, $0x0;
	_ =	strace $0x90000047  }
0x48: {  	s0 =	sadd.s32 @!p0 $0x100000, s0;
	[bflag:$0x2] =	sbarrier.arrive $0xFFFF  }
0x49: {  	[sflag:s0] =	ssyncadd.tile.s32 @!p0 $0x1;
	_ =	shalt  }
.Lfunc_end2:
_tile_overlayer_lowered:
.L_overlay_start_2:
0x4a: {  	(tag) =	ssettag $0x2  }
0x4b: {  	s0 =	rddreg [dreg:$0x0];
	s2 =	stileid.u32  }
0x4c: {  	s1 =	rddreg [dreg:$0x1];
	p0 =	sne.s32 s2, $0x0  }
0x4d: {  	s3 =	rddreg [dreg:$0x2];
	[bflag:$0x3] =	sbarrier.arrive $0xFFFF;
	s2 =	simm.s32 @!p0 $0x1C02  }
0x4e: {  	[timem:s3], [sflag:s2] =	dma.local @!p0 [hbm:s0], s1  }
0x4f: {  	s0 =	simm.s32 @!p0 $0x2  }
0x50: {  	_ =	swait.ge @!p0 [sflag:s0], s1  }
0x51: {  	s1 =	ssub.s32 @!p0 $0x0, s1;
	[sflag:s0] =	ssyncset.done @!p0 $0x0  }
0x52: {  	[sflag:s0] =	ssyncadd.s32 @!p0 s1  }
0x53: {  	[bflag:$0x3] =	sbarrier.arrive $0xFFFF  }
0x54: {  	_ =	shalt  }

</sc_bundles>
